<compile_context>
chip_gen: v7x
topology: tpu7x:2x2x1
jax: 0.10.2.dev20260603
libtpu: 0.0.44.dev20260713+nightly
codegen_flags: <defaults>
</compile_context>

<pallas_src>
import functools

import jax
import jax.numpy as jnp
from jax import lax
from jax.experimental import pallas as pl
from jax.experimental.pallas import tpu as pltpu
from jax.experimental.pallas import tpu_sc as plsc

EMB_D = 64
K = 1024
TPB = 1024
NB = 16
N_TOK = NB * TPB
COMMIT = 0.25


def _vq_tc_body(xc_ref, w_ref, wt_ref, xsq_ref, wsq_ref,
                idx_ref, q_ref, hist_ref, counts_ref, loss_ref, perp_ref,
                acc_counts, acc_loss):
    b = pl.program_id(0)
    xc = xc_ref[0]
    w = w_ref[...]
    wt = wt_ref[...]
    xsq = xsq_ref[0]
    wsq = wsq_ref[...]

    xw = jnp.dot(w, xc, preferred_element_type=jnp.float32)
    dist = (xsq + wsq) - 2.0 * xw

    minv = jnp.min(dist, axis=0, keepdims=True)
    sub = lax.broadcasted_iota(jnp.int32, (K, TPB), 0)
    idx = jnp.min(jnp.where(dist == minv, sub, K), axis=0, keepdims=True)
    idx_ref[0] = idx

    e = jnp.exp(minv - dist)
    s = jnp.sum(e, axis=0, keepdims=True)
    es = e * (1.0 / s)
    hist_ref[0] = jnp.sum(es, axis=1, keepdims=True)

    onehot = (sub == idx).astype(jnp.float32)
    counts_col = jnp.sum(onehot, axis=1, keepdims=True)
    counts_ref[0] = counts_col

    q_ref[0] = jnp.dot(wt, onehot, preferred_element_type=jnp.float32)

    lp = jnp.sum(minv, axis=1, keepdims=True)

    @pl.when(b == 0)
    def _():
        acc_counts[...] = counts_col
        acc_loss[...] = lp
        loss_ref[...] = jnp.zeros((1, 1), jnp.float32)
        perp_ref[...] = jnp.zeros((1, 1), jnp.float32)

    @pl.when(b > 0)
    def _():
        acc_counts[...] += counts_col
        acc_loss[...] += lp

    @pl.when(b == NB - 1)
    def _():
        avg = acc_counts[...] * (1.0 / N_TOK)
        ent = jnp.sum(avg * jnp.log(avg + 1e-10), axis=0, keepdims=True)
        perp_ref[...] = jnp.exp(-ent)
        loss_ref[...] = acc_loss[...] * ((1.0 + COMMIT) / (N_TOK * EMB_D))


def _build_tc(interpret=False):
    return pl.pallas_call(
        _vq_tc_body,
        grid=(NB,),
        in_specs=[
            pl.BlockSpec((1, EMB_D, TPB), lambda b: (b, 0, 0)),
            pl.BlockSpec((K, EMB_D), lambda b: (0, 0)),
            pl.BlockSpec((EMB_D, K), lambda b: (0, 0)),
            pl.BlockSpec((1, 1, TPB), lambda b: (b, 0, 0)),
            pl.BlockSpec((K, 1), lambda b: (0, 0)),
        ],
        out_specs=[
            pl.BlockSpec((1, 1, TPB), lambda b: (b, 0, 0)),
            pl.BlockSpec((1, EMB_D, TPB), lambda b: (b, 0, 0)),
            pl.BlockSpec((1, K, 1), lambda b: (b, 0, 0)),
            pl.BlockSpec((1, K, 1), lambda b: (b, 0, 0)),
            pl.BlockSpec((1, 1), lambda b: (0, 0)),
            pl.BlockSpec((1, 1), lambda b: (0, 0)),
        ],
        out_shape=[
            jax.ShapeDtypeStruct((NB, 1, TPB), jnp.int32),
            jax.ShapeDtypeStruct((NB, EMB_D, TPB), jnp.float32),
            jax.ShapeDtypeStruct((NB, K, 1), jnp.float32),
            jax.ShapeDtypeStruct((NB, K, 1), jnp.float32),
            jax.ShapeDtypeStruct((1, 1), jnp.float32),
            jax.ShapeDtypeStruct((1, 1), jnp.float32),
        ],
        scratch_shapes=[
            pltpu.VMEM((K, 1), jnp.float32),
            pltpu.VMEM((1, 1), jnp.float32),
        ],
        interpret=interpret,
    )


def _make_sc_quant():
    info = plsc.get_sparse_core_info()
    nc, ns = info.num_cores, info.num_subcores
    nw = nc * ns
    tok_per_w = N_TOK // nw
    groups = tok_per_w // 16
    mesh = plsc.VectorSubcoreMesh(core_axis_name="c", subcore_axis_name="s")

    @functools.partial(
        pl.kernel, mesh=mesh,
        out_type=jax.ShapeDtypeStruct((NB, EMB_D, TPB), jnp.float32),
        compiler_params=pltpu.CompilerParams(needs_layout_passes=False),
        scratch_types=[
            pltpu.VMEM((K * EMB_D,), jnp.float32),
            pltpu.VMEM((tok_per_w,), jnp.int32),
            pltpu.VMEM((EMB_D, tok_per_w), jnp.float32),
        ],
    )
    def quant_kernel(w_hbm, idx_hbm, out_hbm, w_v, idx_v, q_v):
        wid = lax.axis_index("c") * ns + lax.axis_index("s")
        base = wid * tok_per_w
        pltpu.sync_copy(w_hbm, w_v)
        pltpu.sync_copy(idx_hbm.at[pl.ds(base, tok_per_w)], idx_v)

        @plsc.parallel_loop(0, groups, 1)
        def body(g):
            start = pl.multiple_of(g * 16, 16)
            tix = idx_v[pl.ds(start, 16)] * EMB_D
            for d in range(EMB_D):
                q_v[d, pl.ds(start, 16)] = plsc.load_gather(w_v, [tix + d])
        b = base // TPB
        off = base % TPB
        pltpu.sync_copy(q_v, out_hbm.at[b, :, pl.ds(off, tok_per_w)])

    return quant_kernel


def kernel(input, W):
    xc = input.reshape(NB, EMB_D, TPB)
    x_fla = jnp.transpose(input, (0, 2, 3, 1)).reshape(N_TOK, EMB_D)
    xsq = jnp.sum(x_fla ** 2, axis=1, keepdims=True).reshape(NB, 1, TPB)
    wsq = jnp.sum(W ** 2, axis=1)[:, None]

    idx, q, hist_t, counts_t, loss, perp = _build_tc()(xc, W, W.T, xsq, wsq)
    q_sc = _make_sc_quant()(W.reshape(K * EMB_D), idx.reshape(N_TOK))
    quantized_out = q_sc.reshape(NB, EMB_D, 32, 32)

    return (quantized_out, loss[0, 0], perp[0, 0], idx.reshape(NB, TPB),
            counts_t.reshape(NB, K), hist_t.reshape(NB, K))

# --- scband reference (transcript-rebuilt; emitter-appended) ---
"""Pipeline reference for scband-vector-quantizer-63728724738241 (READ-ONLY COPY).

The authoritative reference and input builder live on the scoring server;
editing this copy changes nothing except your own understanding.
"""

import jax, jax.numpy as jnp
import numpy as np

EMBEDDING_DIM = 64
NUM_EMBEDDINGS = 1024
COMMITMENT_COST = 0.25


def setup_inputs(seed: int = 0) -> dict:
    key = jax.random.key(seed)
    k1, k2 = jax.random.split(key)
    x = jax.random.normal(k1, (16, 64, 32, 32), dtype=jnp.float32)
    W = jax.random.uniform(k2, (NUM_EMBEDDINGS, EMBEDDING_DIM),
                           minval=-1.0 / NUM_EMBEDDINGS,
                           maxval=1.0 / NUM_EMBEDDINGS,
                           dtype=jnp.float32)
    return {"input": x, "W": W}


def reference(input, W):
    B = input.shape[0]
    in_re = jnp.transpose(input, (0, 2, 3, 1))
    input_shape = in_re.shape
    x_fla = in_re.reshape(-1, EMBEDDING_DIM)
    dist = (jnp.sum(x_fla ** 2, axis=1, keepdims=True)
            + jnp.sum(W ** 2, axis=1)
            - 2.0 * jnp.matmul(x_fla, W.T))
    encoding_indices = jnp.argmin(dist, axis=1)
    encoding = jax.nn.one_hot(encoding_indices, NUM_EMBEDDINGS, dtype=jnp.float32)
    softmax_histogram = jnp.sum(
        jax.nn.softmax(-dist, axis=-1).reshape(B, -1, NUM_EMBEDDINGS), axis=1)
    quantized = jnp.matmul(encoding, W).reshape(input_shape)
    e_latent_loss = jnp.mean((jax.lax.stop_gradient(quantized) - in_re) ** 2)
    q_latent_loss = jnp.mean((quantized - jax.lax.stop_gradient(in_re)) ** 2)
    loss = q_latent_loss + COMMITMENT_COST * e_latent_loss
    quantized_st = in_re + jax.lax.stop_gradient(quantized - in_re)
    avg_probs = jnp.mean(encoding, axis=0)
    perplexity = jnp.exp(-jnp.sum(avg_probs * jnp.log(avg_probs + 1e-10)))
    quantized_out = jnp.transpose(quantized_st, (0, 3, 1, 2))
    encoding_indice = encoding_indices.reshape(B, -1)
    index_program = jax.vmap(
        lambda r: jnp.bincount(r, length=NUM_EMBEDDINGS))(encoding_indice).astype(jnp.float32)
    return (quantized_out, loss, perplexity, encoding_indice, index_program, softmax_histogram)

if __name__ == "__main__":
    import jax
    _d = setup_inputs()
    print(jax.jit(kernel)(*tuple(_d.values())))

</pallas_src>

<mosaic_0001>
#map = affine_map<(d0, d1) -> (0)>
#map1 = affine_map<(d0, d1) -> (0, 0, 0)>
module attributes {stable_mosaic.version = 14 : i64} {
  func.func @quant_kernel(%arg0: i32, %arg1: i32, %arg2: memref<65536xf32, #tpu.memory_space<hbm>>, %arg3: memref<16384xi32, #tpu.memory_space<hbm>>, %arg4: memref<16x64x1024xf32, #tpu.memory_space<hbm>>, %arg5: memref<65536xf32, #tpu.memory_space<vmem>>, %arg6: memref<512xi32, #tpu.memory_space<vmem>>, %arg7: memref<64x512xf32, #tpu.memory_space<vmem>>) attributes {dimension_semantics = [#tpu.dimension_semantics<core_parallel>, #tpu.dimension_semantics<subcore_parallel>], iteration_bounds = array<i64: 2, 16>, scalar_prefetch = 0 : i64, scratch_operands = 3 : i64, tpu.core_type = #tpu.core_type<sc_vector_subcore>, window_params = [{transform_indices = #map}, {transform_indices = #map}, {transform_indices = #map1}]} {
    %mul3A = arith.constant 16 : i32
    %mul3A_0 = arith.muli %arg0, %mul3A : i32
    %add3A = arith.addi %mul3A_0, %arg1 : i32
    %mul3A_1 = arith.constant 512 : i32
    %mul3A_2 = arith.muli %add3A, %mul3A_1 : i32
    "tpu.region"() ({
      %run_scoped3A = tpu.sem_alloc : memref<!tpu.dma_semaphore, #tpu.memory_space<semaphore_mem>>
      tpu.enqueue_dma source(%arg2 : memref<65536xf32, #tpu.memory_space<hbm>>) target(%arg5 : memref<65536xf32, #tpu.memory_space<vmem>>) target_semaphore(%run_scoped3A : memref<!tpu.dma_semaphore, #tpu.memory_space<semaphore_mem>>)
      tpu.wait_dma2 semaphore(%run_scoped3A : memref<!tpu.dma_semaphore, #tpu.memory_space<semaphore_mem>>) src(%arg2 : memref<65536xf32, #tpu.memory_space<hbm>>) dst(%arg5 : memref<65536xf32, #tpu.memory_space<vmem>>)
      tpu.yield
    }) : () -> ()
    "tpu.region"() ({
      %run_scoped3A = tpu.sem_alloc : memref<!tpu.dma_semaphore, #tpu.memory_space<semaphore_mem>>
      %dma_start3A = tpu.memref_slice %arg3[%mul3A_2] : memref<16384xi32, #tpu.memory_space<hbm>> -> memref<512xi32, #tpu.memory_space<hbm>>
      %dma_start3A_35 = tpu.memref_slice %arg3[%mul3A_2] : memref<16384xi32, #tpu.memory_space<hbm>> -> memref<512xi32, #tpu.memory_space<hbm>>
      tpu.enqueue_dma source(%dma_start3A_35 : memref<512xi32, #tpu.memory_space<hbm>>) target(%arg6 : memref<512xi32, #tpu.memory_space<vmem>>) target_semaphore(%run_scoped3A : memref<!tpu.dma_semaphore, #tpu.memory_space<semaphore_mem>>)
      %dma_wait3A = tpu.memref_slice %arg3[%mul3A_2] : memref<16384xi32, #tpu.memory_space<hbm>> -> memref<512xi32, #tpu.memory_space<hbm>>
      %dma_wait3A_36 = tpu.memref_slice %arg3[%mul3A_2] : memref<16384xi32, #tpu.memory_space<hbm>> -> memref<512xi32, #tpu.memory_space<hbm>>
      tpu.wait_dma2 semaphore(%run_scoped3A : memref<!tpu.dma_semaphore, #tpu.memory_space<semaphore_mem>>) src(%dma_wait3A_36 : memref<512xi32, #tpu.memory_space<hbm>>) dst(%arg6 : memref<512xi32, #tpu.memory_space<vmem>>)
      tpu.yield
    }) : () -> ()
    %parallel_loop3A = arith.constant 0 : i32
    %parallel_loop3A_3 = arith.constant 32 : i32
    %parallel_loop3A_4 = arith.constant 1 : i32
    scf.for %parallel_loop3A_35 = %parallel_loop3A to %parallel_loop3A_3 step %parallel_loop3A_4  : i32 {
      %parallel_loop3A_36 = arith.constant 16 : i32
      %parallel_loop3A_37 = arith.muli %parallel_loop3A_35, %parallel_loop3A_36 : i32
      %parallel_loop3A_38 = tpu.assume_multiple %parallel_loop3A_37, 16 : i32
      %parallel_loop3A_39 = arith.index_cast %parallel_loop3A_38 : i32 to index
      %parallel_loop3A_40 = tpu.vector_load %arg6[%parallel_loop3A_39] {strides = array<i32>} : memref<512xi32, #tpu.memory_space<vmem>>, vector<16xi32>,
      %parallel_loop3A_41 = arith.constant 64 : i32
      %parallel_loop3A_42 = vector.broadcast %parallel_loop3A_41 : i32 to vector<16xi32>
      %parallel_loop3A_43 = arith.muli %parallel_loop3A_40, %parallel_loop3A_42 : vector<16xi32>
      %parallel_loop3A_44 = arith.constant 0 : i32
      %parallel_loop3A_45 = vector.broadcast %parallel_loop3A_44 : i32 to vector<16xi32>
      %parallel_loop3A_46 = arith.addi %parallel_loop3A_43, %parallel_loop3A_45 : vector<16xi32>
      %parallel_loop3A_47 = tpu.vector_load_idx %arg5[%parallel_loop3A_46] : memref<65536xf32, #tpu.memory_space<vmem>>[vector<16xi32>], vector<16xf32>,
      %parallel_loop3A_48 = arith.constant 0 : i32
      %parallel_loop3A_49 = arith.index_cast %parallel_loop3A_48 : i32 to index
      %parallel_loop3A_50 = arith.index_cast %parallel_loop3A_38 : i32 to index
      %parallel_loop3A_51 = tpu.vector_load %arg7[%parallel_loop3A_49, %parallel_loop3A_50] {strides = array<i32>} : memref<64x512xf32, #tpu.memory_space<vmem>>, vector<16xf32>,
      tpu.vector_store %arg7[%parallel_loop3A_49, %parallel_loop3A_50], %parallel_loop3A_47 {strides = array<i32>} : memref<64x512xf32, #tpu.memory_space<vmem>>, vector<16xf32>,
      %parallel_loop3A_52 = arith.constant 1 : i32
      %parallel_loop3A_53 = vector.broadcast %parallel_loop3A_52 : i32 to vector<16xi32>
      %parallel_loop3A_54 = arith.addi %parallel_loop3A_43, %parallel_loop3A_53 : vector<16xi32>
      %parallel_loop3A_55 = tpu.vector_load_idx %arg5[%parallel_loop3A_54] : memref<65536xf32, #tpu.memory_space<vmem>>[vector<16xi32>], vector<16xf32>,
      %parallel_loop3A_56 = arith.constant 1 : i32
      %parallel_loop3A_57 = arith.index_cast %parallel_loop3A_56 : i32 to index
      %parallel_loop3A_58 = arith.index_cast %parallel_loop3A_38 : i32 to index
      %parallel_loop3A_59 = tpu.vector_load %arg7[%parallel_loop3A_57, %parallel_loop3A_58] {strides = array<i32>} : memref<64x512xf32, #tpu.memory_space<vmem>>, vector<16xf32>,
      tpu.vector_store %arg7[%parallel_loop3A_57, %parallel_loop3A_58], %parallel_loop3A_55 {strides = array<i32>} : memref<64x512xf32, #tpu.memory_space<vmem>>, vector<16xf32>,
      %parallel_loop3A_60 = arith.constant 2 : i32
      %parallel_loop3A_61 = vector.broadcast %parallel_loop3A_60 : i32 to vector<16xi32>
      %parallel_loop3A_62 = arith.addi %parallel_loop3A_43, %parallel_loop3A_61 : vector<16xi32>
      %parallel_loop3A_63 = tpu.vector_load_idx %arg5[%parallel_loop3A_62] : memref<65536xf32, #tpu.memory_space<vmem>>[vector<16xi32>], vector<16xf32>,
      %parallel_loop3A_64 = arith.constant 2 : i32
      %parallel_loop3A_65 = arith.index_cast %parallel_loop3A_64 : i32 to index
      %parallel_loop3A_66 = arith.index_cast %parallel_loop3A_38 : i32 to index
      %parallel_loop3A_67 = tpu.vector_load %arg7[%parallel_loop3A_65, %parallel_loop3A_66] {strides = array<i32>} : memref<64x512xf32, #tpu.memory_space<vmem>>, vector<16xf32>,
      tpu.vector_store %arg7[%parallel_loop3A_65, %parallel_loop3A_66], %parallel_loop3A_63 {strides = array<i32>} : memref<64x512xf32, #tpu.memory_space<vmem>>, vector<16xf32>,
      %parallel_loop3A_68 = arith.constant 3 : i32
      %parallel_loop3A_69 = vector.broadcast %parallel_loop3A_68 : i32 to vector<16xi32>
      %parallel_loop3A_70 = arith.addi %parallel_loop3A_43, %parallel_loop3A_69 : vector<16xi32>
      %parallel_loop3A_71 = tpu.vector_load_idx %arg5[%parallel_loop3A_70] : memref<65536xf32, #tpu.memory_space<vmem>>[vector<16xi32>], vector<16xf32>,
      %parallel_loop3A_72 = arith.constant 3 : i32
      %parallel_loop3A_73 = arith.index_cast %parallel_loop3A_72 : i32 to index
      %parallel_loop3A_74 = arith.index_cast %parallel_loop3A_38 : i32 to index
      %parallel_loop3A_75 = tpu.vector_load %arg7[%parallel_loop3A_73, %parallel_loop3A_74] {strides = array<i32>} : memref<64x512xf32, #tpu.memory_space<vmem>>, vector<16xf32>,
      tpu.vector_store %arg7[%parallel_loop3A_73, %parallel_loop3A_74], %parallel_loop3A_71 {strides = array<i32>} : memref<64x512xf32, #tpu.memory_space<vmem>>, vector<16xf32>,
      %parallel_loop3A_76 = arith.constant 4 : i32
      %parallel_loop3A_77 = vector.broadcast %parallel_loop3A_76 : i32 to vector<16xi32>
      %parallel_loop3A_78 = arith.addi %parallel_loop3A_43, %parallel_loop3A_77 : vector<16xi32>
      %parallel_loop3A_79 = tpu.vector_load_idx %arg5[%parallel_loop3A_78] : memref<65536xf32, #tpu.memory_space<vmem>>[vector<16xi32>], vector<16xf32>,
      %parallel_loop3A_80 = arith.constant 4 : i32
      %parallel_loop3A_81 = arith.index_cast %parallel_loop3A_80 : i32 to index
      %parallel_loop3A_82 = arith.index_cast %parallel_loop3A_38 : i32 to index
      %parallel_loop3A_83 = tpu.vector_load %arg7[%parallel_loop3A_81, %parallel_loop3A_82] {strides = array<i32>} : memref<64x512xf32, #tpu.memory_space<vmem>>, vector<16xf32>,
      tpu.vector_store %arg7[%parallel_loop3A_81, %parallel_loop3A_82], %parallel_loop3A_79 {strides = array<i32>} : memref<64x512xf32, #tpu.memory_space<vmem>>, vector<16xf32>,
      %parallel_loop3A_84 = arith.constant 5 : i32
      %parallel_loop3A_85 = vector.broadcast %parallel_loop3A_84 : i32 to vector<16xi32>
      %parallel_loop3A_86 = arith.addi %parallel_loop3A_43, %parallel_loop3A_85 : vector<16xi32>
      %parallel_loop3A_87 = tpu.vector_load_idx %arg5[%parallel_loop3A_86] : memref<65536xf32, #tpu.memory_space<vmem>>[vector<16xi32>], vector<16xf32>,
      %parallel_loop3A_88 = arith.constant 5 : i32
      %parallel_loop3A_89 = arith.index_cast %parallel_loop3A_88 : i32 to index
      %parallel_loop3A_90 = arith.index_cast %parallel_loop3A_38 : i32 to index
      %parallel_loop3A_91 = tpu.vector_load %arg7[%parallel_loop3A_89, %parallel_loop3A_90] {strides = array<i32>} : memref<64x512xf32, #tpu.memory_space<vmem>>, vector<16xf32>,
      tpu.vector_store %arg7[%parallel_loop3A_89, %parallel_loop3A_90], %parallel_loop3A_87 {strides = array<i32>} : memref<64x512xf32, #tpu.memory_space<vmem>>, vector<16xf32>,
      %parallel_loop3A_92 = arith.constant 6 : i32
      %parallel_loop3A_93 = vector.broadcast %parallel_loop3A_92 : i32 to vector<16xi32>
      %parallel_loop3A_94 = arith.addi %parallel_loop3A_43, %parallel_loop3A_93 : vector<16xi32>
      %parallel_loop3A_95 = tpu.vector_load_idx %arg5[%parallel_loop3A_94] : memref<65536xf32, #tpu.memory_space<vmem>>[vector<16xi32>], vector<16xf32>,
      %parallel_loop3A_96 = arith.constant 6 : i32
      %parallel_loop3A_97 = arith.index_cast %parallel_loop3A_96 : i32 to index
      %parallel_loop3A_98 = arith.index_cast %parallel_loop3A_38 : i32 to index
      %parallel_loop3A_99 = tpu.vector_load %arg7[%parallel_loop3A_97, %parallel_loop3A_98] {strides = array<i32>} : memref<64x512xf32, #tpu.memory_space<vmem>>, vector<16xf32>,
      tpu.vector_store %arg7[%parallel_loop3A_97, %parallel_loop3A_98], %parallel_loop3A_95 {strides = array<i32>} : memref<64x512xf32, #tpu.memory_space<vmem>>, vector<16xf32>,
      %parallel_loop3A_100 = arith.constant 7 : i32
      %parallel_loop3A_101 = vector.broadcast %parallel_loop3A_100 : i32 to vector<16xi32>
      %parallel_loop3A_102 = arith.addi %parallel_loop3A_43, %parallel_loop3A_101 : vector<16xi32>
      %parallel_loop3A_103 = tpu.vector_load_idx %arg5[%parallel_loop3A_102] : memref<65536xf32, #tpu.memory_space<vmem>>[vector<16xi32>], vector<16xf32>,
      %parallel_loop3A_104 = arith.constant 7 : i32
      %parallel_loop3A_105 = arith.index_cast %parallel_loop3A_104 : i32 to index
      %parallel_loop3A_106 = arith.index_cast %parallel_loop3A_38 : i32 to index
      %parallel_loop3A_107 = tpu.vector_load %arg7[%parallel_loop3A_105, %parallel_loop3A_106] {strides = array<i32>} : memref<64x512xf32, #tpu.memory_space<vmem>>, vector<16xf32>,
      tpu.vector_store %arg7[%parallel_loop3A_105, %parallel_loop3A_106], %parallel_loop3A_103 {strides = array<i32>} : memref<64x512xf32, #tpu.memory_space<vmem>>, vector<16xf32>,
      %parallel_loop3A_108 = arith.constant 8 : i32
      %parallel_loop3A_109 = vector.broadcast %parallel_loop3A_108 : i32 to vector<16xi32>
      %parallel_loop3A_110 = arith.addi %parallel_loop3A_43, %parallel_loop3A_109 : vector<16xi32>
      %parallel_loop3A_111 = tpu.vector_load_idx %arg5[%parallel_loop3A_110] : memref<65536xf32, #tpu.memory_space<vmem>>[vector<16xi32>], vector<16xf32>,
      %parallel_loop3A_112 = arith.constant 8 : i32
      %parallel_loop3A_113 = arith.index_cast %parallel_loop3A_112 : i32 to index
      %parallel_loop3A_114 = arith.index_cast %parallel_loop3A_38 : i32 to index
      %parallel_loop3A_115 = tpu.vector_load %arg7[%parallel_loop3A_113, %parallel_loop3A_114] {strides = array<i32>} : memref<64x512xf32, #tpu.memory_space<vmem>>, vector<16xf32>,
      tpu.vector_store %arg7[%parallel_loop3A_113, %parallel_loop3A_114], %parallel_loop3A_111 {strides = array<i32>} : memref<64x512xf32, #tpu.memory_space<vmem>>, vector<16xf32>,
      %parallel_loop3A_116 = arith.constant 9 : i32
      %parallel_loop3A_117 = vector.broadcast %parallel_loop3A_116 : i32 to vector<16xi32>
      %parallel_loop3A_118 = arith.addi %parallel_loop3A_43, %parallel_loop3A_117 : vector<16xi32>
      %parallel_loop3A_119 = tpu.vector_load_idx %arg5[%parallel_loop3A_118] : memref<65536xf32, #tpu.memory_space<vmem>>[vector<16xi32>], vector<16xf32>,
      %parallel_loop3A_120 = arith.constant 9 : i32
      %parallel_loop3A_121 = arith.index_cast %parallel_loop3A_120 : i32 to index
      %parallel_loop3A_122 = arith.index_cast %parallel_loop3A_38 : i32 to index
      %parallel_loop3A_123 = tpu.vector_load %arg7[%parallel_loop3A_121, %parallel_loop3A_122] {strides = array<i32>} : memref<64x512xf32, #tpu.memory_space<vmem>>, vector<16xf32>,
      tpu.vector_store %arg7[%parallel_loop3A_121, %parallel_loop3A_122], %parallel_loop3A_119 {strides = array<i32>} : memref<64x512xf32, #tpu.memory_space<vmem>>, vector<16xf32>,
      %parallel_loop3A_124 = arith.constant 10 : i32
      %parallel_loop3A_125 = vector.broadcast %parallel_loop3A_124 : i32 to vector<16xi32>
      %parallel_loop3A_126 = arith.addi %parallel_loop3A_43, %parallel_loop3A_125 : vector<16xi32>
      %parallel_loop3A_127 = tpu.vector_load_idx %arg5[%parallel_loop3A_126] : memref<65536xf32, #tpu.memory_space<vmem>>[vector<16xi32>], vector<16xf32>,
      %parallel_loop3A_128 = arith.constant 10 : i32
      %parallel_loop3A_129 = arith.index_cast %parallel_loop3A_128 : i32 to index
      %parallel_loop3A_130 = arith.index_cast %parallel_loop3A_38 : i32 to index
      %parallel_loop3A_131 = tpu.vector_load %arg7[%parallel_loop3A_129, %parallel_loop3A_130] {strides = array<i32>} : memref<64x512xf32, #tpu.memory_space<vmem>>, vector<16xf32>,
      tpu.vector_store %arg7[%parallel_loop3A_129, %parallel_loop3A_130], %parallel_loop3A_127 {strides = array<i32>} : memref<64x512xf32, #tpu.memory_space<vmem>>, vector<16xf32>,
      %parallel_loop3A_132 = arith.constant 11 : i32
      %parallel_loop3A_133 = vector.broadcast %parallel_loop3A_132 : i32 to vector<16xi32>
      %parallel_loop3A_134 = arith.addi %parallel_loop3A_43, %parallel_loop3A_133 : vector<16xi32>
      %parallel_loop3A_135 = tpu.vector_load_idx %arg5[%parallel_loop3A_134] : memref<65536xf32, #tpu.memory_space<vmem>>[vector<16xi32>], vector<16xf32>,
      %parallel_loop3A_136 = arith.constant 11 : i32
      %parallel_loop3A_137 = arith.index_cast %parallel_loop3A_136 : i32 to index
      %parallel_loop3A_138 = arith.index_cast %parallel_loop3A_38 : i32 to index
      %parallel_loop3A_139 = tpu.vector_load %arg7[%parallel_loop3A_137, %parallel_loop3A_138] {strides = array<i32>} : memref<64x512xf32, #tpu.memory_space<vmem>>, vector<16xf32>,
      tpu.vector_store %arg7[%parallel_loop3A_137, %parallel_loop3A_138], %parallel_loop3A_135 {strides = array<i32>} : memref<64x512xf32, #tpu.memory_space<vmem>>, vector<16xf32>,
      %parallel_loop3A_140 = arith.constant 12 : i32
      %parallel_loop3A_141 = vector.broadcast %parallel_loop3A_140 : i32 to vector<16xi32>
      %parallel_loop3A_142 = arith.addi %parallel_loop3A_43, %parallel_loop3A_141 : vector<16xi32>
      %parallel_loop3A_143 = tpu.vector_load_idx %arg5[%parallel_loop3A_142] : memref<65536xf32, #tpu.memory_space<vmem>>[vector<16xi32>], vector<16xf32>,
      %parallel_loop3A_144 = arith.constant 12 : i32
      %parallel_loop3A_145 = arith.index_cast %parallel_loop3A_144 : i32 to index
      %parallel_loop3A_146 = arith.index_cast %parallel_loop3A_38 : i32 to index
      %parallel_loop3A_147 = tpu.vector_load %arg7[%parallel_loop3A_145, %parallel_loop3A_146] {strides = array<i32>} : memref<64x512xf32, #tpu.memory_space<vmem>>, vector<16xf32>,
      tpu.vector_store %arg7[%parallel_loop3A_145, %parallel_loop3A_146], %parallel_loop3A_143 {strides = array<i32>} : memref<64x512xf32, #tpu.memory_space<vmem>>, vector<16xf32>,
      %parallel_loop3A_148 = arith.constant 13 : i32
      %parallel_loop3A_149 = vector.broadcast %parallel_loop3A_148 : i32 to vector<16xi32>
      %parallel_loop3A_150 = arith.addi %parallel_loop3A_43, %parallel_loop3A_149 : vector<16xi32>
      %parallel_loop3A_151 = tpu.vector_load_idx %arg5[%parallel_loop3A_150] : memref<65536xf32, #tpu.memory_space<vmem>>[vector<16xi32>], vector<16xf32>,
      %parallel_loop3A_152 = arith.constant 13 : i32
      %parallel_loop3A_153 = arith.index_cast %parallel_loop3A_152 : i32 to index
      %parallel_loop3A_154 = arith.index_cast %parallel_loop3A_38 : i32 to index
      %parallel_loop3A_155 = tpu.vector_load %arg7[%parallel_loop3A_153, %parallel_loop3A_154] {strides = array<i32>} : memref<64x512xf32, #tpu.memory_space<vmem>>, vector<16xf32>,
      tpu.vector_store %arg7[%parallel_loop3A_153, %parallel_loop3A_154], %parallel_loop3A_151 {strides = array<i32>} : memref<64x512xf32, #tpu.memory_space<vmem>>, vector<16xf32>,
      %parallel_loop3A_156 = arith.constant 14 : i32
      %parallel_loop3A_157 = vector.broadcast %parallel_loop3A_156 : i32 to vector<16xi32>
      %parallel_loop3A_158 = arith.addi %parallel_loop3A_43, %parallel_loop3A_157 : vector<16xi32>
      %parallel_loop3A_159 = tpu.vector_load_idx %arg5[%parallel_loop3A_158] : memref<65536xf32, #tpu.memory_space<vmem>>[vector<16xi32>], vector<16xf32>,
      %parallel_loop3A_160 = arith.constant 14 : i32
      %parallel_loop3A_161 = arith.index_cast %parallel_loop3A_160 : i32 to index
      %parallel_loop3A_162 = arith.index_cast %parallel_loop3A_38 : i32 to index
      %parallel_loop3A_163 = tpu.vector_load %arg7[%parallel_loop3A_161, %parallel_loop3A_162] {strides = array<i32>} : memref<64x512xf32, #tpu.memory_space<vmem>>, vector<16xf32>,
      tpu.vector_store %arg7[%parallel_loop3A_161, %parallel_loop3A_162], %parallel_loop3A_159 {strides = array<i32>} : memref<64x512xf32, #tpu.memory_space<vmem>>, vector<16xf32>,
      %parallel_loop3A_164 = arith.constant 15 : i32
      %parallel_loop3A_165 = vector.broadcast %parallel_loop3A_164 : i32 to vector<16xi32>
      %parallel_loop3A_166 = arith.addi %parallel_loop3A_43, %parallel_loop3A_165 : vector<16xi32>
      %parallel_loop3A_167 = tpu.vector_load_idx %arg5[%parallel_loop3A_166] : memref<65536xf32, #tpu.memory_space<vmem>>[vector<16xi32>], vector<16xf32>,
      %parallel_loop3A_168 = arith.constant 15 : i32
      %parallel_loop3A_169 = arith.index_cast %parallel_loop3A_168 : i32 to index
      %parallel_loop3A_170 = arith.index_cast %parallel_loop3A_38 : i32 to index
      %parallel_loop3A_171 = tpu.vector_load %arg7[%parallel_loop3A_169, %parallel_loop3A_170] {strides = array<i32>} : memref<64x512xf32, #tpu.memory_space<vmem>>, vector<16xf32>,
      tpu.vector_store %arg7[%parallel_loop3A_169, %parallel_loop3A_170], %parallel_loop3A_167 {strides = array<i32>} : memref<64x512xf32, #tpu.memory_space<vmem>>, vector<16xf32>,
      %parallel_loop3A_172 = arith.constant 16 : i32
      %parallel_loop3A_173 = vector.broadcast %parallel_loop3A_172 : i32 to vector<16xi32>
      %parallel_loop3A_174 = arith.addi %parallel_loop3A_43, %parallel_loop3A_173 : vector<16xi32>
      %parallel_loop3A_175 = tpu.vector_load_idx %arg5[%parallel_loop3A_174] : memref<65536xf32, #tpu.memory_space<vmem>>[vector<16xi32>], vector<16xf32>,
      %parallel_loop3A_176 = arith.constant 16 : i32
      %parallel_loop3A_177 = arith.index_cast %parallel_loop3A_176 : i32 to index
      %parallel_loop3A_178 = arith.index_cast %parallel_loop3A_38 : i32 to index
      %parallel_loop3A_179 = tpu.vector_load %arg7[%parallel_loop3A_177, %parallel_loop3A_178] {strides = array<i32>} : memref<64x512xf32, #tpu.memory_space<vmem>>, vector<16xf32>,
      tpu.vector_store %arg7[%parallel_loop3A_177, %parallel_loop3A_178], %parallel_loop3A_175 {strides = array<i32>} : memref<64x512xf32, #tpu.memory_space<vmem>>, vector<16xf32>,
      %parallel_loop3A_180 = arith.constant 17 : i32
      %parallel_loop3A_181 = vector.broadcast %parallel_loop3A_180 : i32 to vector<16xi32>
      %parallel_loop3A_182 = arith.addi %parallel_loop3A_43, %parallel_loop3A_181 : vector<16xi32>
      %parallel_loop3A_183 = tpu.vector_load_idx %arg5[%parallel_loop3A_182] : memref<65536xf32, #tpu.memory_space<vmem>>[vector<16xi32>], vector<16xf32>,
      %parallel_loop3A_184 = arith.constant 17 : i32
      %parallel_loop3A_185 = arith.index_cast %parallel_loop3A_184 : i32 to index
      %parallel_loop3A_186 = arith.index_cast %parallel_loop3A_38 : i32 to index
      %parallel_loop3A_187 = tpu.vector_load %arg7[%parallel_loop3A_185, %parallel_loop3A_186] {strides = array<i32>} : memref<64x512xf32, #tpu.memory_space<vmem>>, vector<16xf32>,
      tpu.vector_store %arg7[%parallel_loop3A_185, %parallel_loop3A_186], %parallel_loop3A_183 {strides = array<i32>} : memref<64x512xf32, #tpu.memory_space<vmem>>, vector<16xf32>,
      %parallel_loop3A_188 = arith.constant 18 : i32
      %parallel_loop3A_189 = vector.broadcast %parallel_loop3A_188 : i32 to vector<16xi32>
      %parallel_loop3A_190 = arith.addi %parallel_loop3A_43, %parallel_loop3A_189 : vector<16xi32>
      %parallel_loop3A_191 = tpu.vector_load_idx %arg5[%parallel_loop3A_190] : memref<65536xf32, #tpu.memory_space<vmem>>[vector<16xi32>], vector<16xf32>,
      %parallel_loop3A_192 = arith.constant 18 : i32
      %parallel_loop3A_193 = arith.index_cast %parallel_loop3A_192 : i32 to index
      %parallel_loop3A_194 = arith.index_cast %parallel_loop3A_38 : i32 to index
      %parallel_loop3A_195 = tpu.vector_load %arg7[%parallel_loop3A_193, %parallel_loop3A_194] {strides = array<i32>} : memref<64x512xf32, #tpu.memory_space<vmem>>, vector<16xf32>,
      tpu.vector_store %arg7[%parallel_loop3A_193, %parallel_loop3A_194], %parallel_loop3A_191 {strides = array<i32>} : memref<64x512xf32, #tpu.memory_space<vmem>>, vector<16xf32>,
      %parallel_loop3A_196 = arith.constant 19 : i32
      %parallel_loop3A_197 = vector.broadcast %parallel_loop3A_196 : i32 to vector<16xi32>
      %parallel_loop3A_198 = arith.addi %parallel_loop3A_43, %parallel_loop3A_197 : vector<16xi32>
      %parallel_loop3A_199 = tpu.vector_load_idx %arg5[%parallel_loop3A_198] : memref<65536xf32, #tpu.memory_space<vmem>>[vector<16xi32>], vector<16xf32>,
      %parallel_loop3A_200 = arith.constant 19 : i32
      %parallel_loop3A_201 = arith.index_cast %parallel_loop3A_200 : i32 to index
      %parallel_loop3A_202 = arith.index_cast %parallel_loop3A_38 : i32 to index
      %parallel_loop3A_203 = tpu.vector_load %arg7[%parallel_loop3A_201, %parallel_loop3A_202] {strides = array<i32>} : memref<64x512xf32, #tpu.memory_space<vmem>>, vector<16xf32>,
      tpu.vector_store %arg7[%parallel_loop3A_201, %parallel_loop3A_202], %parallel_loop3A_199 {strides = array<i32>} : memref<64x512xf32, #tpu.memory_space<vmem>>, vector<16xf32>,
      %parallel_loop3A_204 = arith.constant 20 : i32
      %parallel_loop3A_205 = vector.broadcast %parallel_loop3A_204 : i32 to vector<16xi32>
      %parallel_loop3A_206 = arith.addi %parallel_loop3A_43, %parallel_loop3A_205 : vector<16xi32>
      %parallel_loop3A_207 = tpu.vector_load_idx %arg5[%parallel_loop3A_206] : memref<65536xf32, #tpu.memory_space<vmem>>[vector<16xi32>], vector<16xf32>,
      %parallel_loop3A_208 = arith.constant 20 : i32
      %parallel_loop3A_209 = arith.index_cast %parallel_loop3A_208 : i32 to index
      %parallel_loop3A_210 = arith.index_cast %parallel_loop3A_38 : i32 to index
      %parallel_loop3A_211 = tpu.vector_load %arg7[%parallel_loop3A_209, %parallel_loop3A_210] {strides = array<i32>} : memref<64x512xf32, #tpu.memory_space<vmem>>, vector<16xf32>,
      tpu.vector_store %arg7[%parallel_loop3A_209, %parallel_loop3A_210], %parallel_loop3A_207 {strides = array<i32>} : memref<64x512xf32, #tpu.memory_space<vmem>>, vector<16xf32>,
      %parallel_loop3A_212 = arith.constant 21 : i32
      %parallel_loop3A_213 = vector.broadcast %parallel_loop3A_212 : i32 to vector<16xi32>
      %parallel_loop3A_214 = arith.addi %parallel_loop3A_43, %parallel_loop3A_213 : vector<16xi32>
      %parallel_loop3A_215 = tpu.vector_load_idx %arg5[%parallel_loop3A_214] : memref<65536xf32, #tpu.memory_space<vmem>>[vector<16xi32>], vector<16xf32>,
      %parallel_loop3A_216 = arith.constant 21 : i32
      %parallel_loop3A_217 = arith.index_cast %parallel_loop3A_216 : i32 to index
      %parallel_loop3A_218 = arith.index_cast %parallel_loop3A_38 : i32 to index
      %parallel_loop3A_219 = tpu.vector_load %arg7[%parallel_loop3A_217, %parallel_loop3A_218] {strides = array<i32>} : memref<64x512xf32, #tpu.memory_space<vmem>>, vector<16xf32>,
      tpu.vector_store %arg7[%parallel_loop3A_217, %parallel_loop3A_218], %parallel_loop3A_215 {strides = array<i32>} : memref<64x512xf32, #tpu.memory_space<vmem>>, vector<16xf32>,
      %parallel_loop3A_220 = arith.constant 22 : i32
      %parallel_loop3A_221 = vector.broadcast %parallel_loop3A_220 : i32 to vector<16xi32>
      %parallel_loop3A_222 = arith.addi %parallel_loop3A_43, %parallel_loop3A_221 : vector<16xi32>
      %parallel_loop3A_223 = tpu.vector_load_idx %arg5[%parallel_loop3A_222] : memref<65536xf32, #tpu.memory_space<vmem>>[vector<16xi32>], vector<16xf32>,
      %parallel_loop3A_224 = arith.constant 22 : i32
      %parallel_loop3A_225 = arith.index_cast %parallel_loop3A_224 : i32 to index
      %parallel_loop3A_226 = arith.index_cast %parallel_loop3A_38 : i32 to index
      %parallel_loop3A_227 = tpu.vector_load %arg7[%parallel_loop3A_225, %parallel_loop3A_226] {strides = array<i32>} : memref<64x512xf32, #tpu.memory_space<vmem>>, vector<16xf32>,
      tpu.vector_store %arg7[%parallel_loop3A_225, %parallel_loop3A_226], %parallel_loop3A_223 {strides = array<i32>} : memref<64x512xf32, #tpu.memory_space<vmem>>, vector<16xf32>,
      %parallel_loop3A_228 = arith.constant 23 : i32
      %parallel_loop3A_229 = vector.broadcast %parallel_loop3A_228 : i32 to vector<16xi32>
      %parallel_loop3A_230 = arith.addi %parallel_loop3A_43, %parallel_loop3A_229 : vector<16xi32>
      %parallel_loop3A_231 = tpu.vector_load_idx %arg5[%parallel_loop3A_230] : memref<65536xf32, #tpu.memory_space<vmem>>[vector<16xi32>], vector<16xf32>,
      %parallel_loop3A_232 = arith.constant 23 : i32
      %parallel_loop3A_233 = arith.index_cast %parallel_loop3A_232 : i32 to index
      %parallel_loop3A_234 = arith.index_cast %parallel_loop3A_38 : i32 to index
      %parallel_loop3A_235 = tpu.vector_load %arg7[%parallel_loop3A_233, %parallel_loop3A_234] {strides = array<i32>} : memref<64x512xf32, #tpu.memory_space<vmem>>, vector<16xf32>,
      tpu.vector_store %arg7[%parallel_loop3A_233, %parallel_loop3A_234], %parallel_loop3A_231 {strides = array<i32>} : memref<64x512xf32, #tpu.memory_space<vmem>>, vector<16xf32>,
      %parallel_loop3A_236 = arith.constant 24 : i32
      %parallel_loop3A_237 = vector.broadcast %parallel_loop3A_236 : i32 to vector<16xi32>
      %parallel_loop3A_238 = arith.addi %parallel_loop3A_43, %parallel_loop3A_237 : vector<16xi32>
      %parallel_loop3A_239 = tpu.vector_load_idx %arg5[%parallel_loop3A_238] : memref<65536xf32, #tpu.memory_space<vmem>>[vector<16xi32>], vector<16xf32>,
      %parallel_loop3A_240 = arith.constant 24 : i32
      %parallel_loop3A_241 = arith.index_cast %parallel_loop3A_240 : i32 to index
      %parallel_loop3A_242 = arith.index_cast %parallel_loop3A_38 : i32 to index
      %parallel_loop3A_243 = tpu.vector_load %arg7[%parallel_loop3A_241, %parallel_loop3A_242] {strides = array<i32>} : memref<64x512xf32, #tpu.memory_space<vmem>>, vector<16xf32>,
      tpu.vector_store %arg7[%parallel_loop3A_241, %parallel_loop3A_242], %parallel_loop3A_239 {strides = array<i32>} : memref<64x512xf32, #tpu.memory_space<vmem>>, vector<16xf32>,
      %parallel_loop3A_244 = arith.constant 25 : i32
      %parallel_loop3A_245 = vector.broadcast %parallel_loop3A_244 : i32 to vector<16xi32>
      %parallel_loop3A_246 = arith.addi %parallel_loop3A_43, %parallel_loop3A_245 : vector<16xi32>
      %parallel_loop3A_247 = tpu.vector_load_idx %arg5[%parallel_loop3A_246] : memref<65536xf32, #tpu.memory_space<vmem>>[vector<16xi32>], vector<16xf32>,
      %parallel_loop3A_248 = arith.constant 25 : i32
      %parallel_loop3A_249 = arith.index_cast %parallel_loop3A_248 : i32 to index
      %parallel_loop3A_250 = arith.index_cast %parallel_loop3A_38 : i32 to index
      %parallel_loop3A_251 = tpu.vector_load %arg7[%parallel_loop3A_249, %parallel_loop3A_250] {strides = array<i32>} : memref<64x512xf32, #tpu.memory_space<vmem>>, vector<16xf32>,
      tpu.vector_store %arg7[%parallel_loop3A_249, %parallel_loop3A_250], %parallel_loop3A_247 {strides = array<i32>} : memref<64x512xf32, #tpu.memory_space<vmem>>, vector<16xf32>,
      %parallel_loop3A_252 = arith.constant 26 : i32
      %parallel_loop3A_253 = vector.broadcast %parallel_loop3A_252 : i32 to vector<16xi32>
      %parallel_loop3A_254 = arith.addi %parallel_loop3A_43, %parallel_loop3A_253 : vector<16xi32>
      %parallel_loop3A_255 = tpu.vector_load_idx %arg5[%parallel_loop3A_254] : memref<65536xf32, #tpu.memory_space<vmem>>[vector<16xi32>], vector<16xf32>,
      %parallel_loop3A_256 = arith.constant 26 : i32
      %parallel_loop3A_257 = arith.index_cast %parallel_loop3A_256 : i32 to index
      %parallel_loop3A_258 = arith.index_cast %parallel_loop3A_38 : i32 to index
      %parallel_loop3A_259 = tpu.vector_load %arg7[%parallel_loop3A_257, %parallel_loop3A_258] {strides = array<i32>} : memref<64x512xf32, #tpu.memory_space<vmem>>, vector<16xf32>,
      tpu.vector_store %arg7[%parallel_loop3A_257, %parallel_loop3A_258], %parallel_loop3A_255 {strides = array<i32>} : memref<64x512xf32, #tpu.memory_space<vmem>>, vector<16xf32>,
      %parallel_loop3A_260 = arith.constant 27 : i32
      %parallel_loop3A_261 = vector.broadcast %parallel_loop3A_260 : i32 to vector<16xi32>
      %parallel_loop3A_262 = arith.addi %parallel_loop3A_43, %parallel_loop3A_261 : vector<16xi32>
      %parallel_loop3A_263 = tpu.vector_load_idx %arg5[%parallel_loop3A_262] : memref<65536xf32, #tpu.memory_space<vmem>>[vector<16xi32>], vector<16xf32>,
      %parallel_loop3A_264 = arith.constant 27 : i32
      %parallel_loop3A_265 = arith.index_cast %parallel_loop3A_264 : i32 to index
      %parallel_loop3A_266 = arith.index_cast %parallel_loop3A_38 : i32 to index
      %parallel_loop3A_267 = tpu.vector_load %arg7[%parallel_loop3A_265, %parallel_loop3A_266] {strides = array<i32>} : memref<64x512xf32, #tpu.memory_space<vmem>>, vector<16xf32>,
      tpu.vector_store %arg7[%parallel_loop3A_265, %parallel_loop3A_266], %parallel_loop3A_263 {strides = array<i32>} : memref<64x512xf32, #tpu.memory_space<vmem>>, vector<16xf32>,
      %parallel_loop3A_268 = arith.constant 28 : i32
      %parallel_loop3A_269 = vector.broadcast %parallel_loop3A_268 : i32 to vector<16xi32>
      %parallel_loop3A_270 = arith.addi %parallel_loop3A_43, %parallel_loop3A_269 : vector<16xi32>
      %parallel_loop3A_271 = tpu.vector_load_idx %arg5[%parallel_loop3A_270] : memref<65536xf32, #tpu.memory_space<vmem>>[vector<16xi32>], vector<16xf32>,
      %parallel_loop3A_272 = arith.constant 28 : i32
      %parallel_loop3A_273 = arith.index_cast %parallel_loop3A_272 : i32 to index
      %parallel_loop3A_274 = arith.index_cast %parallel_loop3A_38 : i32 to index
      %parallel_loop3A_275 = tpu.vector_load %arg7[%parallel_loop3A_273, %parallel_loop3A_274] {strides = array<i32>} : memref<64x512xf32, #tpu.memory_space<vmem>>, vector<16xf32>,
      tpu.vector_store %arg7[%parallel_loop3A_273, %parallel_loop3A_274], %parallel_loop3A_271 {strides = array<i32>} : memref<64x512xf32, #tpu.memory_space<vmem>>, vector<16xf32>,
      %parallel_loop3A_276 = arith.constant 29 : i32
      %parallel_loop3A_277 = vector.broadcast %parallel_loop3A_276 : i32 to vector<16xi32>
      %parallel_loop3A_278 = arith.addi %parallel_loop3A_43, %parallel_loop3A_277 : vector<16xi32>
      %parallel_loop3A_279 = tpu.vector_load_idx %arg5[%parallel_loop3A_278] : memref<65536xf32, #tpu.memory_space<vmem>>[vector<16xi32>], vector<16xf32>,
      %parallel_loop3A_280 = arith.constant 29 : i32
      %parallel_loop3A_281 = arith.index_cast %parallel_loop3A_280 : i32 to index
      %parallel_loop3A_282 = arith.index_cast %parallel_loop3A_38 : i32 to index
      %parallel_loop3A_283 = tpu.vector_load %arg7[%parallel_loop3A_281, %parallel_loop3A_282] {strides = array<i32>} : memref<64x512xf32, #tpu.memory_space<vmem>>, vector<16xf32>,
      tpu.vector_store %arg7[%parallel_loop3A_281, %parallel_loop3A_282], %parallel_loop3A_279 {strides = array<i32>} : memref<64x512xf32, #tpu.memory_space<vmem>>, vector<16xf32>,
      %parallel_loop3A_284 = arith.constant 30 : i32
      %parallel_loop3A_285 = vector.broadcast %parallel_loop3A_284 : i32 to vector<16xi32>
      %parallel_loop3A_286 = arith.addi %parallel_loop3A_43, %parallel_loop3A_285 : vector<16xi32>
      %parallel_loop3A_287 = tpu.vector_load_idx %arg5[%parallel_loop3A_286] : memref<65536xf32, #tpu.memory_space<vmem>>[vector<16xi32>], vector<16xf32>,
      %parallel_loop3A_288 = arith.constant 30 : i32
      %parallel_loop3A_289 = arith.index_cast %parallel_loop3A_288 : i32 to index
      %parallel_loop3A_290 = arith.index_cast %parallel_loop3A_38 : i32 to index
      %parallel_loop3A_291 = tpu.vector_load %arg7[%parallel_loop3A_289, %parallel_loop3A_290] {strides = array<i32>} : memref<64x512xf32, #tpu.memory_space<vmem>>, vector<16xf32>,
      tpu.vector_store %arg7[%parallel_loop3A_289, %parallel_loop3A_290], %parallel_loop3A_287 {strides = array<i32>} : memref<64x512xf32, #tpu.memory_space<vmem>>, vector<16xf32>,
      %parallel_loop3A_292 = arith.constant 31 : i32
      %parallel_loop3A_293 = vector.broadcast %parallel_loop3A_292 : i32 to vector<16xi32>
      %parallel_loop3A_294 = arith.addi %parallel_loop3A_43, %parallel_loop3A_293 : vector<16xi32>
      %parallel_loop3A_295 = tpu.vector_load_idx %arg5[%parallel_loop3A_294] : memref<65536xf32, #tpu.memory_space<vmem>>[vector<16xi32>], vector<16xf32>,
      %parallel_loop3A_296 = arith.constant 31 : i32
      %parallel_loop3A_297 = arith.index_cast %parallel_loop3A_296 : i32 to index
      %parallel_loop3A_298 = arith.index_cast %parallel_loop3A_38 : i32 to index
      %parallel_loop3A_299 = tpu.vector_load %arg7[%parallel_loop3A_297, %parallel_loop3A_298] {strides = array<i32>} : memref<64x512xf32, #tpu.memory_space<vmem>>, vector<16xf32>,
      tpu.vector_store %arg7[%parallel_loop3A_297, %parallel_loop3A_298], %parallel_loop3A_295 {strides = array<i32>} : memref<64x512xf32, #tpu.memory_space<vmem>>, vector<16xf32>,
      %parallel_loop3A_300 = arith.constant 32 : i32
      %parallel_loop3A_301 = vector.broadcast %parallel_loop3A_300 : i32 to vector<16xi32>
      %parallel_loop3A_302 = arith.addi %parallel_loop3A_43, %parallel_loop3A_301 : vector<16xi32>
      %parallel_loop3A_303 = tpu.vector_load_idx %arg5[%parallel_loop3A_302] : memref<65536xf32, #tpu.memory_space<vmem>>[vector<16xi32>], vector<16xf32>,
      %parallel_loop3A_304 = arith.constant 32 : i32
      %parallel_loop3A_305 = arith.index_cast %parallel_loop3A_304 : i32 to index
      %parallel_loop3A_306 = arith.index_cast %parallel_loop3A_38 : i32 to index
      %parallel_loop3A_307 = tpu.vector_load %arg7[%parallel_loop3A_305, %parallel_loop3A_306] {strides = array<i32>} : memref<64x512xf32, #tpu.memory_space<vmem>>, vector<16xf32>,
      tpu.vector_store %arg7[%parallel_loop3A_305, %parallel_loop3A_306], %parallel_loop3A_303 {strides = array<i32>} : memref<64x512xf32, #tpu.memory_space<vmem>>, vector<16xf32>,
      %parallel_loop3A_308 = arith.constant 33 : i32
      %parallel_loop3A_309 = vector.broadcast %parallel_loop3A_308 : i32 to vector<16xi32>
      %parallel_loop3A_310 = arith.addi %parallel_loop3A_43, %parallel_loop3A_309 : vector<16xi32>
      %parallel_loop3A_311 = tpu.vector_load_idx %arg5[%parallel_loop3A_310] : memref<65536xf32, #tpu.memory_space<vmem>>[vector<16xi32>], vector<16xf32>,
      %parallel_loop3A_312 = arith.constant 33 : i32
      %parallel_loop3A_313 = arith.index_cast %parallel_loop3A_312 : i32 to index
      %parallel_loop3A_314 = arith.index_cast %parallel_loop3A_38 : i32 to index
      %parallel_loop3A_315 = tpu.vector_load %arg7[%parallel_loop3A_313, %parallel_loop3A_314] {strides = array<i32>} : memref<64x512xf32, #tpu.memory_space<vmem>>, vector<16xf32>,
      tpu.vector_store %arg7[%parallel_loop3A_313, %parallel_loop3A_314], %parallel_loop3A_311 {strides = array<i32>} : memref<64x512xf32, #tpu.memory_space<vmem>>, vector<16xf32>,
      %parallel_loop3A_316 = arith.constant 34 : i32
      %parallel_loop3A_317 = vector.broadcast %parallel_loop3A_316 : i32 to vector<16xi32>
      %parallel_loop3A_318 = arith.addi %parallel_loop3A_43, %parallel_loop3A_317 : vector<16xi32>
      %parallel_loop3A_319 = tpu.vector_load_idx %arg5[%parallel_loop3A_318] : memref<65536xf32, #tpu.memory_space<vmem>>[vector<16xi32>], vector<16xf32>,
      %parallel_loop3A_320 = arith.constant 34 : i32
      %parallel_loop3A_321 = arith.index_cast %parallel_loop3A_320 : i32 to index
      %parallel_loop3A_322 = arith.index_cast %parallel_loop3A_38 : i32 to index
      %parallel_loop3A_323 = tpu.vector_load %arg7[%parallel_loop3A_321, %parallel_loop3A_322] {strides = array<i32>} : memref<64x512xf32, #tpu.memory_space<vmem>>, vector<16xf32>,
      tpu.vector_store %arg7[%parallel_loop3A_321, %parallel_loop3A_322], %parallel_loop3A_319 {strides = array<i32>} : memref<64x512xf32, #tpu.memory_space<vmem>>, vector<16xf32>,
      %parallel_loop3A_324 = arith.constant 35 : i32
      %parallel_loop3A_325 = vector.broadcast %parallel_loop3A_324 : i32 to vector<16xi32>
      %parallel_loop3A_326 = arith.addi %parallel_loop3A_43, %parallel_loop3A_325 : vector<16xi32>
      %parallel_loop3A_327 = tpu.vector_load_idx %arg5[%parallel_loop3A_326] : memref<65536xf32, #tpu.memory_space<vmem>>[vector<16xi32>], vector<16xf32>,
      %parallel_loop3A_328 = arith.constant 35 : i32
      %parallel_loop3A_329 = arith.index_cast %parallel_loop3A_328 : i32 to index
      %parallel_loop3A_330 = arith.index_cast %parallel_loop3A_38 : i32 to index
      %parallel_loop3A_331 = tpu.vector_load %arg7[%parallel_loop3A_329, %parallel_loop3A_330] {strides = array<i32>} : memref<64x512xf32, #tpu.memory_space<vmem>>, vector<16xf32>,
      tpu.vector_store %arg7[%parallel_loop3A_329, %parallel_loop3A_330], %parallel_loop3A_327 {strides = array<i32>} : memref<64x512xf32, #tpu.memory_space<vmem>>, vector<16xf32>,
      %parallel_loop3A_332 = arith.constant 36 : i32
      %parallel_loop3A_333 = vector.broadcast %parallel_loop3A_332 : i32 to vector<16xi32>
      %parallel_loop3A_334 = arith.addi %parallel_loop3A_43, %parallel_loop3A_333 : vector<16xi32>
      %parallel_loop3A_335 = tpu.vector_load_idx %arg5[%parallel_loop3A_334] : memref<65536xf32, #tpu.memory_space<vmem>>[vector<16xi32>], vector<16xf32>,
      %parallel_loop3A_336 = arith.constant 36 : i32
      %parallel_loop3A_337 = arith.index_cast %parallel_loop3A_336 : i32 to index
      %parallel_loop3A_338 = arith.index_cast %parallel_loop3A_38 : i32 to index
      %parallel_loop3A_339 = tpu.vector_load %arg7[%parallel_loop3A_337, %parallel_loop3A_338] {strides = array<i32>} : memref<64x512xf32, #tpu.memory_space<vmem>>, vector<16xf32>,
      tpu.vector_store %arg7[%parallel_loop3A_337, %parallel_loop3A_338], %parallel_loop3A_335 {strides = array<i32>} : memref<64x512xf32, #tpu.memory_space<vmem>>, vector<16xf32>,
      %parallel_loop3A_340 = arith.constant 37 : i32
      %parallel_loop3A_341 = vector.broadcast %parallel_loop3A_340 : i32 to vector<16xi32>
      %parallel_loop3A_342 = arith.addi %parallel_loop3A_43, %parallel_loop3A_341 : vector<16xi32>
      %parallel_loop3A_343 = tpu.vector_load_idx %arg5[%parallel_loop3A_342] : memref<65536xf32, #tpu.memory_space<vmem>>[vector<16xi32>], vector<16xf32>,
      %parallel_loop3A_344 = arith.constant 37 : i32
      %parallel_loop3A_345 = arith.index_cast %parallel_loop3A_344 : i32 to index
      %parallel_loop3A_346 = arith.index_cast %parallel_loop3A_38 : i32 to index
      %parallel_loop3A_347 = tpu.vector_load %arg7[%parallel_loop3A_345, %parallel_loop3A_346] {strides = array<i32>} : memref<64x512xf32, #tpu.memory_space<vmem>>, vector<16xf32>,
      tpu.vector_store %arg7[%parallel_loop3A_345, %parallel_loop3A_346], %parallel_loop3A_343 {strides = array<i32>} : memref<64x512xf32, #tpu.memory_space<vmem>>, vector<16xf32>,
      %parallel_loop3A_348 = arith.constant 38 : i32
      %parallel_loop3A_349 = vector.broadcast %parallel_loop3A_348 : i32 to vector<16xi32>
      %parallel_loop3A_350 = arith.addi %parallel_loop3A_43, %parallel_loop3A_349 : vector<16xi32>
      %parallel_loop3A_351 = tpu.vector_load_idx %arg5[%parallel_loop3A_350] : memref<65536xf32, #tpu.memory_space<vmem>>[vector<16xi32>], vector<16xf32>,
      %parallel_loop3A_352 = arith.constant 38 : i32
      %parallel_loop3A_353 = arith.index_cast %parallel_loop3A_352 : i32 to index
      %parallel_loop3A_354 = arith.index_cast %parallel_loop3A_38 : i32 to index
      %parallel_loop3A_355 = tpu.vector_load %arg7[%parallel_loop3A_353, %parallel_loop3A_354] {strides = array<i32>} : memref<64x512xf32, #tpu.memory_space<vmem>>, vector<16xf32>,
      tpu.vector_store %arg7[%parallel_loop3A_353, %parallel_loop3A_354], %parallel_loop3A_351 {strides = array<i32>} : memref<64x512xf32, #tpu.memory_space<vmem>>, vector<16xf32>,
      %parallel_loop3A_356 = arith.constant 39 : i32
      %parallel_loop3A_357 = vector.broadcast %parallel_loop3A_356 : i32 to vector<16xi32>
      %parallel_loop3A_358 = arith.addi %parallel_loop3A_43, %parallel_loop3A_357 : vector<16xi32>
      %parallel_loop3A_359 = tpu.vector_load_idx %arg5[%parallel_loop3A_358] : memref<65536xf32, #tpu.memory_space<vmem>>[vector<16xi32>], vector<16xf32>,
      %parallel_loop3A_360 = arith.constant 39 : i32
      %parallel_loop3A_361 = arith.index_cast %parallel_loop3A_360 : i32 to index
      %parallel_loop3A_362 = arith.index_cast %parallel_loop3A_38 : i32 to index
      %parallel_loop3A_363 = tpu.vector_load %arg7[%parallel_loop3A_361, %parallel_loop3A_362] {strides = array<i32>} : memref<64x512xf32, #tpu.memory_space<vmem>>, vector<16xf32>,
      tpu.vector_store %arg7[%parallel_loop3A_361, %parallel_loop3A_362], %parallel_loop3A_359 {strides = array<i32>} : memref<64x512xf32, #tpu.memory_space<vmem>>, vector<16xf32>,
      %parallel_loop3A_364 = arith.constant 40 : i32
      %parallel_loop3A_365 = vector.broadcast %parallel_loop3A_364 : i32 to vector<16xi32>
      %parallel_loop3A_366 = arith.addi %parallel_loop3A_43, %parallel_loop3A_365 : vector<16xi32>
      %parallel_loop3A_367 = tpu.vector_load_idx %arg5[%parallel_loop3A_366] : memref<65536xf32, #tpu.memory_space<vmem>>[vector<16xi32>], vector<16xf32>,
      %parallel_loop3A_368 = arith.constant 40 : i32
      %parallel_loop3A_369 = arith.index_cast %parallel_loop3A_368 : i32 to index
      %parallel_loop3A_370 = arith.index_cast %parallel_loop3A_38 : i32 to index
      %parallel_loop3A_371 = tpu.vector_load %arg7[%parallel_loop3A_369, %parallel_loop3A_370] {strides = array<i32>} : memref<64x512xf32, #tpu.memory_space<vmem>>, vector<16xf32>,
      tpu.vector_store %arg7[%parallel_loop3A_369, %parallel_loop3A_370], %parallel_loop3A_367 {strides = array<i32>} : memref<64x512xf32, #tpu.memory_space<vmem>>, vector<16xf32>,
      %parallel_loop3A_372 = arith.constant 41 : i32
      %parallel_loop3A_373 = vector.broadcast %parallel_loop3A_372 : i32 to vector<16xi32>
      %parallel_loop3A_374 = arith.addi %parallel_loop3A_43, %parallel_loop3A_373 : vector<16xi32>
      %parallel_loop3A_375 = tpu.vector_load_idx %arg5[%parallel_loop3A_374] : memref<65536xf32, #tpu.memory_space<vmem>>[vector<16xi32>], vector<16xf32>,
      %parallel_loop3A_376 = arith.constant 41 : i32
      %parallel_loop3A_377 = arith.index_cast %parallel_loop3A_376 : i32 to index
      %parallel_loop3A_378 = arith.index_cast %parallel_loop3A_38 : i32 to index
      %parallel_loop3A_379 = tpu.vector_load %arg7[%parallel_loop3A_377, %parallel_loop3A_378] {strides = array<i32>} : memref<64x512xf32, #tpu.memory_space<vmem>>, vector<16xf32>,
      tpu.vector_store %arg7[%parallel_loop3A_377, %parallel_loop3A_378], %parallel_loop3A_375 {strides = array<i32>} : memref<64x512xf32, #tpu.memory_space<vmem>>, vector<16xf32>,
      %parallel_loop3A_380 = arith.constant 42 : i32
      %parallel_loop3A_381 = vector.broadcast %parallel_loop3A_380 : i32 to vector<16xi32>
      %parallel_loop3A_382 = arith.addi %parallel_loop3A_43, %parallel_loop3A_381 : vector<16xi32>
      %parallel_loop3A_383 = tpu.vector_load_idx %arg5[%parallel_loop3A_382] : memref<65536xf32, #tpu.memory_space<vmem>>[vector<16xi32>], vector<16xf32>,
      %parallel_loop3A_384 = arith.constant 42 : i32
      %parallel_loop3A_385 = arith.index_cast %parallel_loop3A_384 : i32 to index
      %parallel_loop3A_386 = arith.index_cast %parallel_loop3A_38 : i32 to index
      %parallel_loop3A_387 = tpu.vector_load %arg7[%parallel_loop3A_385, %parallel_loop3A_386] {strides = array<i32>} : memref<64x512xf32, #tpu.memory_space<vmem>>, vector<16xf32>,
      tpu.vector_store %arg7[%parallel_loop3A_385, %parallel_loop3A_386], %parallel_loop3A_383 {strides = array<i32>} : memref<64x512xf32, #tpu.memory_space<vmem>>, vector<16xf32>,
      %parallel_loop3A_388 = arith.constant 43 : i32
      %parallel_loop3A_389 = vector.broadcast %parallel_loop3A_388 : i32 to vector<16xi32>
      %parallel_loop3A_390 = arith.addi %parallel_loop3A_43, %parallel_loop3A_389 : vector<16xi32>
      %parallel_loop3A_391 = tpu.vector_load_idx %arg5[%parallel_loop3A_390] : memref<65536xf32, #tpu.memory_space<vmem>>[vector<16xi32>], vector<16xf32>,
      %parallel_loop3A_392 = arith.constant 43 : i32
      %parallel_loop3A_393 = arith.index_cast %parallel_loop3A_392 : i32 to index
      %parallel_loop3A_394 = arith.index_cast %parallel_loop3A_38 : i32 to index
      %parallel_loop3A_395 = tpu.vector_load %arg7[%parallel_loop3A_393, %parallel_loop3A_394] {strides = array<i32>} : memref<64x512xf32, #tpu.memory_space<vmem>>, vector<16xf32>,
      tpu.vector_store %arg7[%parallel_loop3A_393, %parallel_loop3A_394], %parallel_loop3A_391 {strides = array<i32>} : memref<64x512xf32, #tpu.memory_space<vmem>>, vector<16xf32>,
      %parallel_loop3A_396 = arith.constant 44 : i32
      %parallel_loop3A_397 = vector.broadcast %parallel_loop3A_396 : i32 to vector<16xi32>
      %parallel_loop3A_398 = arith.addi %parallel_loop3A_43, %parallel_loop3A_397 : vector<16xi32>
      %parallel_loop3A_399 = tpu.vector_load_idx %arg5[%parallel_loop3A_398] : memref<65536xf32, #tpu.memory_space<vmem>>[vector<16xi32>], vector<16xf32>,
      %parallel_loop3A_400 = arith.constant 44 : i32
      %parallel_loop3A_401 = arith.index_cast %parallel_loop3A_400 : i32 to index
      %parallel_loop3A_402 = arith.index_cast %parallel_loop3A_38 : i32 to index
      %parallel_loop3A_403 = tpu.vector_load %arg7[%parallel_loop3A_401, %parallel_loop3A_402] {strides = array<i32>} : memref<64x512xf32, #tpu.memory_space<vmem>>, vector<16xf32>,
      tpu.vector_store %arg7[%parallel_loop3A_401, %parallel_loop3A_402], %parallel_loop3A_399 {strides = array<i32>} : memref<64x512xf32, #tpu.memory_space<vmem>>, vector<16xf32>,
      %parallel_loop3A_404 = arith.constant 45 : i32
      %parallel_loop3A_405 = vector.broadcast %parallel_loop3A_404 : i32 to vector<16xi32>
      %parallel_loop3A_406 = arith.addi %parallel_loop3A_43, %parallel_loop3A_405 : vector<16xi32>
      %parallel_loop3A_407 = tpu.vector_load_idx %arg5[%parallel_loop3A_406] : memref<65536xf32, #tpu.memory_space<vmem>>[vector<16xi32>], vector<16xf32>,
      %parallel_loop3A_408 = arith.constant 45 : i32
      %parallel_loop3A_409 = arith.index_cast %parallel_loop3A_408 : i32 to index
      %parallel_loop3A_410 = arith.index_cast %parallel_loop3A_38 : i32 to index
      %parallel_loop3A_411 = tpu.vector_load %arg7[%parallel_loop3A_409, %parallel_loop3A_410] {strides = array<i32>} : memref<64x512xf32, #tpu.memory_space<vmem>>, vector<16xf32>,
      tpu.vector_store %arg7[%parallel_loop3A_409, %parallel_loop3A_410], %parallel_loop3A_407 {strides = array<i32>} : memref<64x512xf32, #tpu.memory_space<vmem>>, vector<16xf32>,
      %parallel_loop3A_412 = arith.constant 46 : i32
      %parallel_loop3A_413 = vector.broadcast %parallel_loop3A_412 : i32 to vector<16xi32>
      %parallel_loop3A_414 = arith.addi %parallel_loop3A_43, %parallel_loop3A_413 : vector<16xi32>
      %parallel_loop3A_415 = tpu.vector_load_idx %arg5[%parallel_loop3A_414] : memref<65536xf32, #tpu.memory_space<vmem>>[vector<16xi32>], vector<16xf32>,
      %parallel_loop3A_416 = arith.constant 46 : i32
      %parallel_loop3A_417 = arith.index_cast %parallel_loop3A_416 : i32 to index
      %parallel_loop3A_418 = arith.index_cast %parallel_loop3A_38 : i32 to index
      %parallel_loop3A_419 = tpu.vector_load %arg7[%parallel_loop3A_417, %parallel_loop3A_418] {strides = array<i32>} : memref<64x512xf32, #tpu.memory_space<vmem>>, vector<16xf32>,
      tpu.vector_store %arg7[%parallel_loop3A_417, %parallel_loop3A_418], %parallel_loop3A_415 {strides = array<i32>} : memref<64x512xf32, #tpu.memory_space<vmem>>, vector<16xf32>,
      %parallel_loop3A_420 = arith.constant 47 : i32
      %parallel_loop3A_421 = vector.broadcast %parallel_loop3A_420 : i32 to vector<16xi32>
      %parallel_loop3A_422 = arith.addi %parallel_loop3A_43, %parallel_loop3A_421 : vector<16xi32>
      %parallel_loop3A_423 = tpu.vector_load_idx %arg5[%parallel_loop3A_422] : memref<65536xf32, #tpu.memory_space<vmem>>[vector<16xi32>], vector<16xf32>,
      %parallel_loop3A_424 = arith.constant 47 : i32
      %parallel_loop3A_425 = arith.index_cast %parallel_loop3A_424 : i32 to index
      %parallel_loop3A_426 = arith.index_cast %parallel_loop3A_38 : i32 to index
      %parallel_loop3A_427 = tpu.vector_load %arg7[%parallel_loop3A_425, %parallel_loop3A_426] {strides = array<i32>} : memref<64x512xf32, #tpu.memory_space<vmem>>, vector<16xf32>,
      tpu.vector_store %arg7[%parallel_loop3A_425, %parallel_loop3A_426], %parallel_loop3A_423 {strides = array<i32>} : memref<64x512xf32, #tpu.memory_space<vmem>>, vector<16xf32>,
      %parallel_loop3A_428 = arith.constant 48 : i32
      %parallel_loop3A_429 = vector.broadcast %parallel_loop3A_428 : i32 to vector<16xi32>
      %parallel_loop3A_430 = arith.addi %parallel_loop3A_43, %parallel_loop3A_429 : vector<16xi32>
      %parallel_loop3A_431 = tpu.vector_load_idx %arg5[%parallel_loop3A_430] : memref<65536xf32, #tpu.memory_space<vmem>>[vector<16xi32>], vector<16xf32>,
      %parallel_loop3A_432 = arith.constant 48 : i32
      %parallel_loop3A_433 = arith.index_cast %parallel_loop3A_432 : i32 to index
      %parallel_loop3A_434 = arith.index_cast %parallel_loop3A_38 : i32 to index
      %parallel_loop3A_435 = tpu.vector_load %arg7[%parallel_loop3A_433, %parallel_loop3A_434] {strides = array<i32>} : memref<64x512xf32, #tpu.memory_space<vmem>>, vector<16xf32>,
      tpu.vector_store %arg7[%parallel_loop3A_433, %parallel_loop3A_434], %parallel_loop3A_431 {strides = array<i32>} : memref<64x512xf32, #tpu.memory_space<vmem>>, vector<16xf32>,
      %parallel_loop3A_436 = arith.constant 49 : i32
      %parallel_loop3A_437 = vector.broadcast %parallel_loop3A_436 : i32 to vector<16xi32>
      %parallel_loop3A_438 = arith.addi %parallel_loop3A_43, %parallel_loop3A_437 : vector<16xi32>
      %parallel_loop3A_439 = tpu.vector_load_idx %arg5[%parallel_loop3A_438] : memref<65536xf32, #tpu.memory_space<vmem>>[vector<16xi32>], vector<16xf32>,
      %parallel_loop3A_440 = arith.constant 49 : i32
      %parallel_loop3A_441 = arith.index_cast %parallel_loop3A_440 : i32 to index
      %parallel_loop3A_442 = arith.index_cast %parallel_loop3A_38 : i32 to index
      %parallel_loop3A_443 = tpu.vector_load %arg7[%parallel_loop3A_441, %parallel_loop3A_442] {strides = array<i32>} : memref<64x512xf32, #tpu.memory_space<vmem>>, vector<16xf32>,
      tpu.vector_store %arg7[%parallel_loop3A_441, %parallel_loop3A_442], %parallel_loop3A_439 {strides = array<i32>} : memref<64x512xf32, #tpu.memory_space<vmem>>, vector<16xf32>,
      %parallel_loop3A_444 = arith.constant 50 : i32
      %parallel_loop3A_445 = vector.broadcast %parallel_loop3A_444 : i32 to vector<16xi32>
      %parallel_loop3A_446 = arith.addi %parallel_loop3A_43, %parallel_loop3A_445 : vector<16xi32>
      %parallel_loop3A_447 = tpu.vector_load_idx %arg5[%parallel_loop3A_446] : memref<65536xf32, #tpu.memory_space<vmem>>[vector<16xi32>], vector<16xf32>,
      %parallel_loop3A_448 = arith.constant 50 : i32
      %parallel_loop3A_449 = arith.index_cast %parallel_loop3A_448 : i32 to index
      %parallel_loop3A_450 = arith.index_cast %parallel_loop3A_38 : i32 to index
      %parallel_loop3A_451 = tpu.vector_load %arg7[%parallel_loop3A_449, %parallel_loop3A_450] {strides = array<i32>} : memref<64x512xf32, #tpu.memory_space<vmem>>, vector<16xf32>,
      tpu.vector_store %arg7[%parallel_loop3A_449, %parallel_loop3A_450], %parallel_loop3A_447 {strides = array<i32>} : memref<64x512xf32, #tpu.memory_space<vmem>>, vector<16xf32>,
      %parallel_loop3A_452 = arith.constant 51 : i32
      %parallel_loop3A_453 = vector.broadcast %parallel_loop3A_452 : i32 to vector<16xi32>
      %parallel_loop3A_454 = arith.addi %parallel_loop3A_43, %parallel_loop3A_453 : vector<16xi32>
      %parallel_loop3A_455 = tpu.vector_load_idx %arg5[%parallel_loop3A_454] : memref<65536xf32, #tpu.memory_space<vmem>>[vector<16xi32>], vector<16xf32>,
      %parallel_loop3A_456 = arith.constant 51 : i32
      %parallel_loop3A_457 = arith.index_cast %parallel_loop3A_456 : i32 to index
      %parallel_loop3A_458 = arith.index_cast %parallel_loop3A_38 : i32 to index
      %parallel_loop3A_459 = tpu.vector_load %arg7[%parallel_loop3A_457, %parallel_loop3A_458] {strides = array<i32>} : memref<64x512xf32, #tpu.memory_space<vmem>>, vector<16xf32>,
      tpu.vector_store %arg7[%parallel_loop3A_457, %parallel_loop3A_458], %parallel_loop3A_455 {strides = array<i32>} : memref<64x512xf32, #tpu.memory_space<vmem>>, vector<16xf32>,
      %parallel_loop3A_460 = arith.constant 52 : i32
      %parallel_loop3A_461 = vector.broadcast %parallel_loop3A_460 : i32 to vector<16xi32>
      %parallel_loop3A_462 = arith.addi %parallel_loop3A_43, %parallel_loop3A_461 : vector<16xi32>
      %parallel_loop3A_463 = tpu.vector_load_idx %arg5[%parallel_loop3A_462] : memref<65536xf32, #tpu.memory_space<vmem>>[vector<16xi32>], vector<16xf32>,
      %parallel_loop3A_464 = arith.constant 52 : i32
      %parallel_loop3A_465 = arith.index_cast %parallel_loop3A_464 : i32 to index
      %parallel_loop3A_466 = arith.index_cast %parallel_loop3A_38 : i32 to index
      %parallel_loop3A_467 = tpu.vector_load %arg7[%parallel_loop3A_465, %parallel_loop3A_466] {strides = array<i32>} : memref<64x512xf32, #tpu.memory_space<vmem>>, vector<16xf32>,
      tpu.vector_store %arg7[%parallel_loop3A_465, %parallel_loop3A_466], %parallel_loop3A_463 {strides = array<i32>} : memref<64x512xf32, #tpu.memory_space<vmem>>, vector<16xf32>,
      %parallel_loop3A_468 = arith.constant 53 : i32
      %parallel_loop3A_469 = vector.broadcast %parallel_loop3A_468 : i32 to vector<16xi32>
      %parallel_loop3A_470 = arith.addi %parallel_loop3A_43, %parallel_loop3A_469 : vector<16xi32>
      %parallel_loop3A_471 = tpu.vector_load_idx %arg5[%parallel_loop3A_470] : memref<65536xf32, #tpu.memory_space<vmem>>[vector<16xi32>], vector<16xf32>,
      %parallel_loop3A_472 = arith.constant 53 : i32
      %parallel_loop3A_473 = arith.index_cast %parallel_loop3A_472 : i32 to index
      %parallel_loop3A_474 = arith.index_cast %parallel_loop3A_38 : i32 to index
      %parallel_loop3A_475 = tpu.vector_load %arg7[%parallel_loop3A_473, %parallel_loop3A_474] {strides = array<i32>} : memref<64x512xf32, #tpu.memory_space<vmem>>, vector<16xf32>,
      tpu.vector_store %arg7[%parallel_loop3A_473, %parallel_loop3A_474], %parallel_loop3A_471 {strides = array<i32>} : memref<64x512xf32, #tpu.memory_space<vmem>>, vector<16xf32>,
      %parallel_loop3A_476 = arith.constant 54 : i32
      %parallel_loop3A_477 = vector.broadcast %parallel_loop3A_476 : i32 to vector<16xi32>
      %parallel_loop3A_478 = arith.addi %parallel_loop3A_43, %parallel_loop3A_477 : vector<16xi32>
      %parallel_loop3A_479 = tpu.vector_load_idx %arg5[%parallel_loop3A_478] : memref<65536xf32, #tpu.memory_space<vmem>>[vector<16xi32>], vector<16xf32>,
      %parallel_loop3A_480 = arith.constant 54 : i32
      %parallel_loop3A_481 = arith.index_cast %parallel_loop3A_480 : i32 to index
      %parallel_loop3A_482 = arith.index_cast %parallel_loop3A_38 : i32 to index
      %parallel_loop3A_483 = tpu.vector_load %arg7[%parallel_loop3A_481, %parallel_loop3A_482] {strides = array<i32>} : memref<64x512xf32, #tpu.memory_space<vmem>>, vector<16xf32>,
      tpu.vector_store %arg7[%parallel_loop3A_481, %parallel_loop3A_482], %parallel_loop3A_479 {strides = array<i32>} : memref<64x512xf32, #tpu.memory_space<vmem>>, vector<16xf32>,
      %parallel_loop3A_484 = arith.constant 55 : i32
      %parallel_loop3A_485 = vector.broadcast %parallel_loop3A_484 : i32 to vector<16xi32>
      %parallel_loop3A_486 = arith.addi %parallel_loop3A_43, %parallel_loop3A_485 : vector<16xi32>
      %parallel_loop3A_487 = tpu.vector_load_idx %arg5[%parallel_loop3A_486] : memref<65536xf32, #tpu.memory_space<vmem>>[vector<16xi32>], vector<16xf32>,
      %parallel_loop3A_488 = arith.constant 55 : i32
      %parallel_loop3A_489 = arith.index_cast %parallel_loop3A_488 : i32 to index
      %parallel_loop3A_490 = arith.index_cast %parallel_loop3A_38 : i32 to index
      %parallel_loop3A_491 = tpu.vector_load %arg7[%parallel_loop3A_489, %parallel_loop3A_490] {strides = array<i32>} : memref<64x512xf32, #tpu.memory_space<vmem>>, vector<16xf32>,
      tpu.vector_store %arg7[%parallel_loop3A_489, %parallel_loop3A_490], %parallel_loop3A_487 {strides = array<i32>} : memref<64x512xf32, #tpu.memory_space<vmem>>, vector<16xf32>,
      %parallel_loop3A_492 = arith.constant 56 : i32
      %parallel_loop3A_493 = vector.broadcast %parallel_loop3A_492 : i32 to vector<16xi32>
      %parallel_loop3A_494 = arith.addi %parallel_loop3A_43, %parallel_loop3A_493 : vector<16xi32>
      %parallel_loop3A_495 = tpu.vector_load_idx %arg5[%parallel_loop3A_494] : memref<65536xf32, #tpu.memory_space<vmem>>[vector<16xi32>], vector<16xf32>,
      %parallel_loop3A_496 = arith.constant 56 : i32
      %parallel_loop3A_497 = arith.index_cast %parallel_loop3A_496 : i32 to index
      %parallel_loop3A_498 = arith.index_cast %parallel_loop3A_38 : i32 to index
      %parallel_loop3A_499 = tpu.vector_load %arg7[%parallel_loop3A_497, %parallel_loop3A_498] {strides = array<i32>} : memref<64x512xf32, #tpu.memory_space<vmem>>, vector<16xf32>,
      tpu.vector_store %arg7[%parallel_loop3A_497, %parallel_loop3A_498], %parallel_loop3A_495 {strides = array<i32>} : memref<64x512xf32, #tpu.memory_space<vmem>>, vector<16xf32>,
      %parallel_loop3A_500 = arith.constant 57 : i32
      %parallel_loop3A_501 = vector.broadcast %parallel_loop3A_500 : i32 to vector<16xi32>
      %parallel_loop3A_502 = arith.addi %parallel_loop3A_43, %parallel_loop3A_501 : vector<16xi32>
      %parallel_loop3A_503 = tpu.vector_load_idx %arg5[%parallel_loop3A_502] : memref<65536xf32, #tpu.memory_space<vmem>>[vector<16xi32>], vector<16xf32>,
      %parallel_loop3A_504 = arith.constant 57 : i32
      %parallel_loop3A_505 = arith.index_cast %parallel_loop3A_504 : i32 to index
      %parallel_loop3A_506 = arith.index_cast %parallel_loop3A_38 : i32 to index
      %parallel_loop3A_507 = tpu.vector_load %arg7[%parallel_loop3A_505, %parallel_loop3A_506] {strides = array<i32>} : memref<64x512xf32, #tpu.memory_space<vmem>>, vector<16xf32>,
      tpu.vector_store %arg7[%parallel_loop3A_505, %parallel_loop3A_506], %parallel_loop3A_503 {strides = array<i32>} : memref<64x512xf32, #tpu.memory_space<vmem>>, vector<16xf32>,
      %parallel_loop3A_508 = arith.constant 58 : i32
      %parallel_loop3A_509 = vector.broadcast %parallel_loop3A_508 : i32 to vector<16xi32>
      %parallel_loop3A_510 = arith.addi %parallel_loop3A_43, %parallel_loop3A_509 : vector<16xi32>
      %parallel_loop3A_511 = tpu.vector_load_idx %arg5[%parallel_loop3A_510] : memref<65536xf32, #tpu.memory_space<vmem>>[vector<16xi32>], vector<16xf32>,
      %parallel_loop3A_512 = arith.constant 58 : i32
      %parallel_loop3A_513 = arith.index_cast %parallel_loop3A_512 : i32 to index
      %parallel_loop3A_514 = arith.index_cast %parallel_loop3A_38 : i32 to index
      %parallel_loop3A_515 = tpu.vector_load %arg7[%parallel_loop3A_513, %parallel_loop3A_514] {strides = array<i32>} : memref<64x512xf32, #tpu.memory_space<vmem>>, vector<16xf32>,
      tpu.vector_store %arg7[%parallel_loop3A_513, %parallel_loop3A_514], %parallel_loop3A_511 {strides = array<i32>} : memref<64x512xf32, #tpu.memory_space<vmem>>, vector<16xf32>,
      %parallel_loop3A_516 = arith.constant 59 : i32
      %parallel_loop3A_517 = vector.broadcast %parallel_loop3A_516 : i32 to vector<16xi32>
      %parallel_loop3A_518 = arith.addi %parallel_loop3A_43, %parallel_loop3A_517 : vector<16xi32>
      %parallel_loop3A_519 = tpu.vector_load_idx %arg5[%parallel_loop3A_518] : memref<65536xf32, #tpu.memory_space<vmem>>[vector<16xi32>], vector<16xf32>,
      %parallel_loop3A_520 = arith.constant 59 : i32
      %parallel_loop3A_521 = arith.index_cast %parallel_loop3A_520 : i32 to index
      %parallel_loop3A_522 = arith.index_cast %parallel_loop3A_38 : i32 to index
      %parallel_loop3A_523 = tpu.vector_load %arg7[%parallel_loop3A_521, %parallel_loop3A_522] {strides = array<i32>} : memref<64x512xf32, #tpu.memory_space<vmem>>, vector<16xf32>,
      tpu.vector_store %arg7[%parallel_loop3A_521, %parallel_loop3A_522], %parallel_loop3A_519 {strides = array<i32>} : memref<64x512xf32, #tpu.memory_space<vmem>>, vector<16xf32>,
      %parallel_loop3A_524 = arith.constant 60 : i32
      %parallel_loop3A_525 = vector.broadcast %parallel_loop3A_524 : i32 to vector<16xi32>
      %parallel_loop3A_526 = arith.addi %parallel_loop3A_43, %parallel_loop3A_525 : vector<16xi32>
      %parallel_loop3A_527 = tpu.vector_load_idx %arg5[%parallel_loop3A_526] : memref<65536xf32, #tpu.memory_space<vmem>>[vector<16xi32>], vector<16xf32>,
      %parallel_loop3A_528 = arith.constant 60 : i32
      %parallel_loop3A_529 = arith.index_cast %parallel_loop3A_528 : i32 to index
      %parallel_loop3A_530 = arith.index_cast %parallel_loop3A_38 : i32 to index
      %parallel_loop3A_531 = tpu.vector_load %arg7[%parallel_loop3A_529, %parallel_loop3A_530] {strides = array<i32>} : memref<64x512xf32, #tpu.memory_space<vmem>>, vector<16xf32>,
      tpu.vector_store %arg7[%parallel_loop3A_529, %parallel_loop3A_530], %parallel_loop3A_527 {strides = array<i32>} : memref<64x512xf32, #tpu.memory_space<vmem>>, vector<16xf32>,
      %parallel_loop3A_532 = arith.constant 61 : i32
      %parallel_loop3A_533 = vector.broadcast %parallel_loop3A_532 : i32 to vector<16xi32>
      %parallel_loop3A_534 = arith.addi %parallel_loop3A_43, %parallel_loop3A_533 : vector<16xi32>
      %parallel_loop3A_535 = tpu.vector_load_idx %arg5[%parallel_loop3A_534] : memref<65536xf32, #tpu.memory_space<vmem>>[vector<16xi32>], vector<16xf32>,
      %parallel_loop3A_536 = arith.constant 61 : i32
      %parallel_loop3A_537 = arith.index_cast %parallel_loop3A_536 : i32 to index
      %parallel_loop3A_538 = arith.index_cast %parallel_loop3A_38 : i32 to index
      %parallel_loop3A_539 = tpu.vector_load %arg7[%parallel_loop3A_537, %parallel_loop3A_538] {strides = array<i32>} : memref<64x512xf32, #tpu.memory_space<vmem>>, vector<16xf32>,
      tpu.vector_store %arg7[%parallel_loop3A_537, %parallel_loop3A_538], %parallel_loop3A_535 {strides = array<i32>} : memref<64x512xf32, #tpu.memory_space<vmem>>, vector<16xf32>,
      %parallel_loop3A_540 = arith.constant 62 : i32
      %parallel_loop3A_541 = vector.broadcast %parallel_loop3A_540 : i32 to vector<16xi32>
      %parallel_loop3A_542 = arith.addi %parallel_loop3A_43, %parallel_loop3A_541 : vector<16xi32>
      %parallel_loop3A_543 = tpu.vector_load_idx %arg5[%parallel_loop3A_542] : memref<65536xf32, #tpu.memory_space<vmem>>[vector<16xi32>], vector<16xf32>,
      %parallel_loop3A_544 = arith.constant 62 : i32
      %parallel_loop3A_545 = arith.index_cast %parallel_loop3A_544 : i32 to index
      %parallel_loop3A_546 = arith.index_cast %parallel_loop3A_38 : i32 to index
      %parallel_loop3A_547 = tpu.vector_load %arg7[%parallel_loop3A_545, %parallel_loop3A_546] {strides = array<i32>} : memref<64x512xf32, #tpu.memory_space<vmem>>, vector<16xf32>,
      tpu.vector_store %arg7[%parallel_loop3A_545, %parallel_loop3A_546], %parallel_loop3A_543 {strides = array<i32>} : memref<64x512xf32, #tpu.memory_space<vmem>>, vector<16xf32>,
      %parallel_loop3A_548 = arith.constant 63 : i32
      %parallel_loop3A_549 = vector.broadcast %parallel_loop3A_548 : i32 to vector<16xi32>
      %parallel_loop3A_550 = arith.addi %parallel_loop3A_43, %parallel_loop3A_549 : vector<16xi32>
      %parallel_loop3A_551 = tpu.vector_load_idx %arg5[%parallel_loop3A_550] : memref<65536xf32, #tpu.memory_space<vmem>>[vector<16xi32>], vector<16xf32>,
      %parallel_loop3A_552 = arith.constant 63 : i32
      %parallel_loop3A_553 = arith.index_cast %parallel_loop3A_552 : i32 to index
      %parallel_loop3A_554 = arith.index_cast %parallel_loop3A_38 : i32 to index
      %parallel_loop3A_555 = tpu.vector_load %arg7[%parallel_loop3A_553, %parallel_loop3A_554] {strides = array<i32>} : memref<64x512xf32, #tpu.memory_space<vmem>>, vector<16xf32>,
      tpu.vector_store %arg7[%parallel_loop3A_553, %parallel_loop3A_554], %parallel_loop3A_551 {strides = array<i32>} : memref<64x512xf32, #tpu.memory_space<vmem>>, vector<16xf32>,
    } {sc.loop_unroll_factor = 1 : i64, sc.parallel_access}
    %jit3A = arith.constant 1024 : i32
    %div3A = arith.divsi %mul3A_2, %jit3A : i32
    %sign3A = arith.constant 0 : i32
    %sign3A_5 = arith.cmpi sgt, %mul3A_2, %sign3A : i32
    %sign3A_6 = arith.extui %sign3A_5 : i1 to i32
    %sign3A_7 = arith.constant 0 : i32
    %sign3A_8 = arith.cmpi slt, %mul3A_2, %sign3A_7 : i32
    %sign3A_9 = arith.extui %sign3A_8 : i1 to i32
    %sign3A_10 = arith.subi %sign3A_6, %sign3A_9 : i32
    %sign3A_11 = arith.constant 0 : i32
    %sign3A_12 = arith.cmpi sgt, %jit3A, %sign3A_11 : i32
    %sign3A_13 = arith.extui %sign3A_12 : i1 to i32
    %sign3A_14 = arith.constant 0 : i32
    %sign3A_15 = arith.cmpi slt, %jit3A, %sign3A_14 : i32
    %sign3A_16 = arith.extui %sign3A_15 : i1 to i32
    %sign3A_17 = arith.subi %sign3A_13, %sign3A_16 : i32
    %ne3A = arith.cmpi ne, %sign3A_10, %sign3A_17 : i32
    %rem3A = arith.remsi %mul3A_2, %jit3A : i32
    %ne3A_18 = arith.constant 0 : i32
    %ne3A_19 = arith.cmpi ne, %rem3A, %ne3A_18 : i32
    %and3A = arith.andi %ne3A, %ne3A_19 : i1
    %sub3A = arith.constant 1 : i32
    %sub3A_20 = arith.subi %div3A, %sub3A : i32
    %select_n3A = arith.select %and3A, %sub3A_20, %div3A : i32
    %jit3A_21 = arith.constant 1024 : i32
    %eq3A = arith.constant 0 : i32
    %eq3A_22 = arith.cmpi eq, %jit3A_21, %eq3A : i32
    %jit3A_23 = arith.constant 1 : i32
    %select_n3A_24 = arith.select %eq3A_22, %jit3A_23, %jit3A_21 : i32
    %rem3A_25 = arith.remsi %mul3A_2, %select_n3A_24 : i32
    %ne3A_26 = arith.constant 0 : i32
    %ne3A_27 = arith.cmpi ne, %rem3A_25, %ne3A_26 : i32
    %lt3A = arith.constant 0 : i32
    %lt3A_28 = arith.cmpi slt, %rem3A_25, %lt3A : i32
    %lt3A_29 = arith.constant 0 : i32
    %lt3A_30 = arith.cmpi slt, %select_n3A_24, %lt3A_29 : i32
    %ne3A_31 = arith.xori %lt3A_28, %lt3A_30 : i1
    %and3A_32 = arith.andi %ne3A_31, %ne3A_27 : i1
    %add3A_33 = arith.addi %rem3A_25, %select_n3A_24 : i32
    %select_n3A_34 = arith.select %and3A_32, %add3A_33, %rem3A_25 : i32
    "tpu.region"() ({
      %run_scoped3A = tpu.sem_alloc : memref<!tpu.dma_semaphore, #tpu.memory_space<semaphore_mem>>
      %dma_start3A = arith.constant 0 : i32
      %dma_start3A_35 = tpu.memref_slice %arg4[%select_n3A, %dma_start3A, %select_n3A_34] : memref<16x64x1024xf32, #tpu.memory_space<hbm>> -> memref<1x64x512xf32, #tpu.memory_space<hbm>>
      %dma_start3A_36 = tpu.memref_squeeze %dma_start3A_35 : memref<1x64x512xf32, #tpu.memory_space<hbm>> -> memref<64x512xf32, #tpu.memory_space<hbm>>
      %dma_start3A_37 = arith.constant 0 : i32
      %dma_start3A_38 = tpu.memref_slice %arg4[%select_n3A, %dma_start3A_37, %select_n3A_34] : memref<16x64x1024xf32, #tpu.memory_space<hbm>> -> memref<1x64x512xf32, #tpu.memory_space<hbm>>
      %dma_start3A_39 = tpu.memref_squeeze %dma_start3A_38 : memref<1x64x512xf32, #tpu.memory_space<hbm>> -> memref<64x512xf32, #tpu.memory_space<hbm>>
      tpu.enqueue_dma source(%arg7 : memref<64x512xf32, #tpu.memory_space<vmem>>) target(%dma_start3A_39 : memref<64x512xf32, #tpu.memory_space<hbm>>) target_semaphore(%run_scoped3A : memref<!tpu.dma_semaphore, #tpu.memory_space<semaphore_mem>>)
      %dma_wait3A = arith.constant 0 : i32
      %dma_wait3A_40 = tpu.memref_slice %arg4[%select_n3A, %dma_wait3A, %select_n3A_34] : memref<16x64x1024xf32, #tpu.memory_space<hbm>> -> memref<1x64x512xf32, #tpu.memory_space<hbm>>
      %dma_wait3A_41 = tpu.memref_squeeze %dma_wait3A_40 : memref<1x64x512xf32, #tpu.memory_space<hbm>> -> memref<64x512xf32, #tpu.memory_space<hbm>>
      %dma_wait3A_42 = arith.constant 0 : i32
      %dma_wait3A_43 = tpu.memref_slice %arg4[%select_n3A, %dma_wait3A_42, %select_n3A_34] : memref<16x64x1024xf32, #tpu.memory_space<hbm>> -> memref<1x64x512xf32, #tpu.memory_space<hbm>>
      %dma_wait3A_44 = tpu.memref_squeeze %dma_wait3A_43 : memref<1x64x512xf32, #tpu.memory_space<hbm>> -> memref<64x512xf32, #tpu.memory_space<hbm>>
      tpu.wait_dma2 semaphore(%run_scoped3A : memref<!tpu.dma_semaphore, #tpu.memory_space<semaphore_mem>>) src(%arg7 : memref<64x512xf32, #tpu.memory_space<vmem>>) dst(%dma_wait3A_44 : memref<64x512xf32, #tpu.memory_space<hbm>>)
      tpu.yield
    }) : () -> ()
    return
  }
}

module attributes {stable_mosaic.version = 14 : i64} {
  func.func @_vq_tc_body(%arg0: i32, %arg1: memref<1x64x1024xf32, #tpu.memory_space<vmem>>, %arg2: memref<1024x64xf32, #tpu.memory_space<vmem>>, %arg3: memref<64x1024xf32, #tpu.memory_space<vmem>>, %arg4: memref<1x1x1024xf32, #tpu.memory_space<vmem>>, %arg5: memref<1024x1xf32, #tpu.memory_space<vmem>>, %arg6: memref<1x1x1024xi32, #tpu.memory_space<vmem>>, %arg7: memref<1x64x1024xf32, #tpu.memory_space<vmem>>, %arg8: memref<1x1024x1xf32, #tpu.memory_space<vmem>>, %arg9: memref<1x1024x1xf32, #tpu.memory_space<vmem>>, %arg10: memref<1x1xf32, #tpu.memory_space<vmem>>, %arg11: memref<1x1xf32, #tpu.memory_space<vmem>>, %arg12: memref<1024x1xf32, #tpu.memory_space<vmem>>, %arg13: memref<1x1xf32, #tpu.memory_space<vmem>>) attributes {dimension_semantics = [#tpu.dimension_semantics<arbitrary>], iteration_bounds = array<i64: 16>, scalar_prefetch = 0 : i64, scratch_operands = 2 : i64, tpu.core_type = #tpu.core_type<tc>, window_params = [{transform_indices = @transform_0, window_bounds = array<i64: 1, 64, 1024>}, {pipeline_mode = #tpu.pipeline_mode<synchronous>, transform_indices = @transform_1, window_bounds = array<i64: 1024, 64>}, {pipeline_mode = #tpu.pipeline_mode<synchronous>, transform_indices = @transform_2, window_bounds = array<i64: 64, 1024>}, {transform_indices = @transform_3, window_bounds = array<i64: 1, 1, 1024>}, {pipeline_mode = #tpu.pipeline_mode<synchronous>, transform_indices = @transform_4, window_bounds = array<i64: 1024, 1>}, {transform_indices = @transform_5, window_bounds = array<i64: 1, 1, 1024>}, {transform_indices = @transform_6, window_bounds = array<i64: 1, 64, 1024>}, {transform_indices = @transform_7, window_bounds = array<i64: 1, 1024, 1>}, {transform_indices = @transform_8, window_bounds = array<i64: 1, 1024, 1>}, {pipeline_mode = #tpu.pipeline_mode<synchronous>, transform_indices = @transform_9, window_bounds = array<i64: 1, 1>}, {pipeline_mode = #tpu.pipeline_mode<synchronous>, transform_indices = @transform_10, window_bounds = array<i64: 1, 1>}]} {
    %get3A = arith.constant 0 : index
    %get3A_0 = arith.constant 0 : index
    %get3A_1 = arith.constant 0 : index
    %get3A_2 = vector.load %arg1[%get3A, %get3A_0, %get3A_1] : memref<1x64x1024xf32, #tpu.memory_space<vmem>>, vector<1x64x1024xf32>
    %get3A_3 = vector.shape_cast %get3A_2 : vector<1x64x1024xf32> to vector<64x1024xf32>
    %get3A_4 = arith.constant 0 : index
    %get3A_5 = arith.constant 0 : index
    %get3A_6 = vector.load %arg2[%get3A_4, %get3A_5] : memref<1024x64xf32, #tpu.memory_space<vmem>>, vector<1024x64xf32>
    %get3A_7 = arith.constant 0 : index
    %get3A_8 = arith.constant 0 : index
    %get3A_9 = vector.load %arg3[%get3A_7, %get3A_8] : memref<64x1024xf32, #tpu.memory_space<vmem>>, vector<64x1024xf32>
    %get3A_10 = arith.constant 0 : index
    %get3A_11 = arith.constant 0 : index
    %get3A_12 = arith.constant 0 : index
    %get3A_13 = vector.load %arg4[%get3A_10, %get3A_11, %get3A_12] : memref<1x1x1024xf32, #tpu.memory_space<vmem>>, vector<1x1x1024xf32>
    %get3A_14 = vector.shape_cast %get3A_13 : vector<1x1x1024xf32> to vector<1x1024xf32>
    %get3A_15 = arith.constant 0 : index
    %get3A_16 = arith.constant 0 : index
    %get3A_17 = vector.load %arg5[%get3A_15, %get3A_16] : memref<1024x1xf32, #tpu.memory_space<vmem>>, vector<1024x1xf32>
    %dot_general3A = arith.constant dense<0.000000e+00> : vector<1024x1024xf32>
    %dot_general3A_18 = tpu.matmul %get3A_6, %get3A_3, %dot_general3A {dimension_numbers = #tpu.dot_dimension_numbers<[1], [0], [0], [1], [0, 0, 1, 1], [], []>, transpose_lhs_hint = false} : vector<1024x64xf32>, vector<64x1024xf32>, vector<1024x1024xf32> -> vector<1024x1024xf32>
    %add3A = vector.broadcast %get3A_14 : vector<1x1024xf32> to vector<1024x1024xf32>
    %add3A_19 = vector.broadcast %get3A_17 : vector<1024x1xf32> to vector<1024x1024xf32>
    %add3A_20 = arith.addf %add3A, %add3A_19 : vector<1024x1024xf32>
    %mul3A = arith.constant 2.000000e+00 : f32
    %mul3A_21 = vector.broadcast %mul3A : f32 to vector<1024x1024xf32>
    %mul3A_22 = arith.mulf %mul3A_21, %dot_general3A_18 : vector<1024x1024xf32>
    %sub3A = arith.subf %add3A_20, %mul3A_22 : vector<1024x1024xf32>
    %reduce_min3A = arith.constant dense<0x7F800000> : vector<1024xf32>
    %reduce_min3A_23 = vector.multi_reduction <minimumf>, %sub3A, %reduce_min3A [0] : vector<1024x1024xf32> to vector<1024xf32>
    %broadcast_in_dim3A = vector.shape_cast %reduce_min3A_23 : vector<1024xf32> to vector<1x1024xf32>
    %iota3A = tpu.iota {dimensions = array<i32: 0>} : vector<1024x1024xi32>
    %eq3A = vector.broadcast %broadcast_in_dim3A : vector<1x1024xf32> to vector<1024x1024xf32>
    %eq3A_24 = arith.cmpf oeq, %sub3A, %eq3A : vector<1024x1024xf32>
    %jit3A = arith.constant 1024 : i32
    %broadcast_in_dim3A_25 = vector.broadcast %jit3A : i32 to vector<1024x1024xi32>
    %select_n3A = arith.select %eq3A_24, %iota3A, %broadcast_in_dim3A_25 : vector<1024x1024xi1>, vector<1024x1024xi32>
    %reduce_min3A_26 = arith.constant dense<2147483647> : vector<1024xi32>
    %reduce_min3A_27 = vector.multi_reduction <minsi>, %select_n3A, %reduce_min3A_26 [0] : vector<1024x1024xi32> to vector<1024xi32>
    %broadcast_in_dim3A_28 = vector.shape_cast %reduce_min3A_27 : vector<1024xi32> to vector<1x1024xi32>
    %swap3A = arith.constant 0 : index
    %swap3A_29 = arith.constant 0 : index
    %swap3A_30 = arith.constant 0 : index
    %swap3A_31 = vector.load %arg6[%swap3A, %swap3A_29, %swap3A_30] : memref<1x1x1024xi32, #tpu.memory_space<vmem>>, vector<1x1x1024xi32>
    %swap3A_32 = vector.shape_cast %swap3A_31 : vector<1x1x1024xi32> to vector<1x1024xi32>
    %swap3A_33 = vector.shape_cast %broadcast_in_dim3A_28 : vector<1x1024xi32> to vector<1x1x1024xi32>
    tpu.vector_store %arg6[%swap3A, %swap3A_29, %swap3A_30], %swap3A_33 {strides = array<i32>} : memref<1x1x1024xi32, #tpu.memory_space<vmem>>, vector<1x1x1024xi32>,
    %sub3A_34 = vector.broadcast %broadcast_in_dim3A : vector<1x1024xf32> to vector<1024x1024xf32>
    %sub3A_35 = arith.subf %sub3A_34, %sub3A : vector<1024x1024xf32>
    %exp3A = math.exp %sub3A_35 : vector<1024x1024xf32>
    %reduce_sum3A = arith.constant dense<0.000000e+00> : vector<1024xf32>
    %reduce_sum3A_36 = vector.multi_reduction <add>, %exp3A, %reduce_sum3A [0] : vector<1024x1024xf32> to vector<1024xf32>
    %broadcast_in_dim3A_37 = vector.shape_cast %reduce_sum3A_36 : vector<1024xf32> to vector<1x1024xf32>
    %div3A = arith.constant 1.000000e+00 : f32
    %div3A_38 = vector.broadcast %div3A : f32 to vector<1x1024xf32>
    %div3A_39 = arith.divf %div3A_38, %broadcast_in_dim3A_37 : vector<1x1024xf32>
    %mul3A_40 = vector.broadcast %div3A_39 : vector<1x1024xf32> to vector<1024x1024xf32>
    %mul3A_41 = arith.mulf %exp3A, %mul3A_40 : vector<1024x1024xf32>
    %reduce_sum3A_42 = arith.constant dense<0.000000e+00> : vector<1024xf32>
    %reduce_sum3A_43 = vector.multi_reduction <add>, %mul3A_41, %reduce_sum3A_42 [1] : vector<1024x1024xf32> to vector<1024xf32>
    %broadcast_in_dim3A_44 = vector.shape_cast %reduce_sum3A_43 : vector<1024xf32> to vector<1024x1xf32>
    %swap3A_45 = arith.constant 0 : index
    %swap3A_46 = arith.constant 0 : index
    %swap3A_47 = arith.constant 0 : index
    %swap3A_48 = vector.load %arg8[%swap3A_45, %swap3A_46, %swap3A_47] : memref<1x1024x1xf32, #tpu.memory_space<vmem>>, vector<1x1024x1xf32>
    %swap3A_49 = vector.shape_cast %swap3A_48 : vector<1x1024x1xf32> to vector<1024x1xf32>
    %swap3A_50 = vector.shape_cast %broadcast_in_dim3A_44 : vector<1024x1xf32> to vector<1x1024x1xf32>
    tpu.vector_store %arg8[%swap3A_45, %swap3A_46, %swap3A_47], %swap3A_50 {strides = array<i32>} : memref<1x1024x1xf32, #tpu.memory_space<vmem>>, vector<1x1024x1xf32>,
    %eq3A_51 = vector.broadcast %broadcast_in_dim3A_28 : vector<1x1024xi32> to vector<1024x1024xi32>
    %eq3A_52 = arith.cmpi eq, %iota3A, %eq3A_51 : vector<1024x1024xi32>
    %convert_element_type3A = arith.extui %eq3A_52 : vector<1024x1024xi1> to vector<1024x1024xi32>
    %convert_element_type3A_53 = arith.sitofp %convert_element_type3A : vector<1024x1024xi32> to vector<1024x1024xf32>
    %reduce_sum3A_54 = arith.constant dense<0.000000e+00> : vector<1024xf32>
    %reduce_sum3A_55 = vector.multi_reduction <add>, %convert_element_type3A_53, %reduce_sum3A_54 [1] : vector<1024x1024xf32> to vector<1024xf32>
    %broadcast_in_dim3A_56 = vector.shape_cast %reduce_sum3A_55 : vector<1024xf32> to vector<1024x1xf32>
    %swap3A_57 = arith.constant 0 : index
    %swap3A_58 = arith.constant 0 : index
    %swap3A_59 = arith.constant 0 : index
    %swap3A_60 = vector.load %arg9[%swap3A_57, %swap3A_58, %swap3A_59] : memref<1x1024x1xf32, #tpu.memory_space<vmem>>, vector<1x1024x1xf32>
    %swap3A_61 = vector.shape_cast %swap3A_60 : vector<1x1024x1xf32> to vector<1024x1xf32>
    %swap3A_62 = vector.shape_cast %broadcast_in_dim3A_56 : vector<1024x1xf32> to vector<1x1024x1xf32>
    tpu.vector_store %arg9[%swap3A_57, %swap3A_58, %swap3A_59], %swap3A_62 {strides = array<i32>} : memref<1x1024x1xf32, #tpu.memory_space<vmem>>, vector<1x1024x1xf32>,
    %dot_general3A_63 = arith.constant dense<0.000000e+00> : vector<64x1024xf32>
    %dot_general3A_64 = tpu.matmul %get3A_9, %convert_element_type3A_53, %dot_general3A_63 {dimension_numbers = #tpu.dot_dimension_numbers<[1], [0], [0], [1], [0, 0, 1, 1], [], []>, transpose_lhs_hint = false} : vector<64x1024xf32>, vector<1024x1024xf32>, vector<64x1024xf32> -> vector<64x1024xf32>
    %swap3A_65 = arith.constant 0 : index
    %swap3A_66 = arith.constant 0 : index
    %swap3A_67 = arith.constant 0 : index
    %swap3A_68 = vector.load %arg7[%swap3A_65, %swap3A_66, %swap3A_67] : memref<1x64x1024xf32, #tpu.memory_space<vmem>>, vector<1x64x1024xf32>
    %swap3A_69 = vector.shape_cast %swap3A_68 : vector<1x64x1024xf32> to vector<64x1024xf32>
    %swap3A_70 = vector.shape_cast %dot_general3A_64 : vector<64x1024xf32> to vector<1x64x1024xf32>
    tpu.vector_store %arg7[%swap3A_65, %swap3A_66, %swap3A_67], %swap3A_70 {strides = array<i32>} : memref<1x64x1024xf32, #tpu.memory_space<vmem>>, vector<1x64x1024xf32>,
    %reduce_sum3A_71 = arith.constant dense<0.000000e+00> : vector<1xf32>
    %reduce_sum3A_72 = vector.multi_reduction <add>, %broadcast_in_dim3A, %reduce_sum3A_71 [1] : vector<1x1024xf32> to vector<1xf32>
    %broadcast_in_dim3A_73 = vector.shape_cast %reduce_sum3A_72 : vector<1xf32> to vector<1x1xf32>
    %eq3A_74 = arith.constant 0 : i32
    %eq3A_75 = arith.cmpi eq, %arg0, %eq3A_74 : i32
    %convert_element_type3A_76 = arith.extui %eq3A_75 : i1 to i32
    %cond3A = arith.constant 0 : i32
    %cond3A_77 = arith.cmpi ne, %convert_element_type3A_76, %cond3A : i32
    scf.if %cond3A_77 {
      %swap3A_87 = arith.constant 0 : index
      %swap3A_88 = arith.constant 0 : index
      %swap3A_89 = vector.load %arg12[%swap3A_87, %swap3A_88] : memref<1024x1xf32, #tpu.memory_space<vmem>>, vector<1024x1xf32>
      tpu.vector_store %arg12[%swap3A_87, %swap3A_88], %broadcast_in_dim3A_56 {strides = array<i32>} : memref<1024x1xf32, #tpu.memory_space<vmem>>, vector<1024x1xf32>,
      %swap3A_90 = arith.constant 0 : index
      %swap3A_91 = arith.constant 0 : index
      %swap3A_92 = vector.load %arg13[%swap3A_90, %swap3A_91] : memref<1x1xf32, #tpu.memory_space<vmem>>, vector<1x1xf32>
      tpu.vector_store %arg13[%swap3A_90, %swap3A_91], %broadcast_in_dim3A_73 {strides = array<i32>} : memref<1x1xf32, #tpu.memory_space<vmem>>, vector<1x1xf32>,
      %broadcast_in_dim3A_93 = arith.constant 0.000000e+00 : f32
      %broadcast_in_dim3A_94 = vector.broadcast %broadcast_in_dim3A_93 : f32 to vector<1x1xf32>
      %swap3A_95 = arith.constant 0 : index
      %swap3A_96 = arith.constant 0 : index
      %swap3A_97 = vector.load %arg10[%swap3A_95, %swap3A_96] : memref<1x1xf32, #tpu.memory_space<vmem>>, vector<1x1xf32>
      tpu.vector_store %arg10[%swap3A_95, %swap3A_96], %broadcast_in_dim3A_94 {strides = array<i32>} : memref<1x1xf32, #tpu.memory_space<vmem>>, vector<1x1xf32>,
      %broadcast_in_dim3A_98 = arith.constant 0.000000e+00 : f32
      %broadcast_in_dim3A_99 = vector.broadcast %broadcast_in_dim3A_98 : f32 to vector<1x1xf32>
      %swap3A_100 = arith.constant 0 : index
      %swap3A_101 = arith.constant 0 : index
      %swap3A_102 = vector.load %arg11[%swap3A_100, %swap3A_101] : memref<1x1xf32, #tpu.memory_space<vmem>>, vector<1x1xf32>
      tpu.vector_store %arg11[%swap3A_100, %swap3A_101], %broadcast_in_dim3A_99 {strides = array<i32>} : memref<1x1xf32, #tpu.memory_space<vmem>>, vector<1x1xf32>,
    } else {
    }
    %gt3A = arith.constant 0 : i32
    %gt3A_78 = arith.cmpi sgt, %arg0, %gt3A : i32
    %convert_element_type3A_79 = arith.extui %gt3A_78 : i1 to i32
    %cond3A_80 = arith.constant 0 : i32
    %cond3A_81 = arith.cmpi ne, %convert_element_type3A_79, %cond3A_80 : i32
    scf.if %cond3A_81 {
      %get3A_87 = arith.constant 0 : index
      %get3A_88 = arith.constant 0 : index
      %get3A_89 = vector.load %arg12[%get3A_87, %get3A_88] : memref<1024x1xf32, #tpu.memory_space<vmem>>, vector<1024x1xf32>
      %add3A_90 = arith.addf %get3A_89, %broadcast_in_dim3A_56 : vector<1024x1xf32>
      %swap3A_91 = arith.constant 0 : index
      %swap3A_92 = arith.constant 0 : index
      %swap3A_93 = vector.load %arg12[%swap3A_91, %swap3A_92] : memref<1024x1xf32, #tpu.memory_space<vmem>>, vector<1024x1xf32>
      tpu.vector_store %arg12[%swap3A_91, %swap3A_92], %add3A_90 {strides = array<i32>} : memref<1024x1xf32, #tpu.memory_space<vmem>>, vector<1024x1xf32>,
      %get3A_94 = arith.constant 0 : index
      %get3A_95 = arith.constant 0 : index
      %get3A_96 = vector.load %arg13[%get3A_94, %get3A_95] : memref<1x1xf32, #tpu.memory_space<vmem>>, vector<1x1xf32>
      %add3A_97 = arith.addf %get3A_96, %broadcast_in_dim3A_73 : vector<1x1xf32>
      %swap3A_98 = arith.constant 0 : index
      %swap3A_99 = arith.constant 0 : index
      %swap3A_100 = vector.load %arg13[%swap3A_98, %swap3A_99] : memref<1x1xf32, #tpu.memory_space<vmem>>, vector<1x1xf32>
      tpu.vector_store %arg13[%swap3A_98, %swap3A_99], %add3A_97 {strides = array<i32>} : memref<1x1xf32, #tpu.memory_space<vmem>>, vector<1x1xf32>,
    } else {
    }
    %eq3A_82 = arith.constant 15 : i32
    %eq3A_83 = arith.cmpi eq, %arg0, %eq3A_82 : i32
    %convert_element_type3A_84 = arith.extui %eq3A_83 : i1 to i32
    %cond3A_85 = arith.constant 0 : i32
    %cond3A_86 = arith.cmpi ne, %convert_element_type3A_84, %cond3A_85 : i32
    scf.if %cond3A_86 {
      %get3A_87 = arith.constant 0 : index
      %get3A_88 = arith.constant 0 : index
      %get3A_89 = vector.load %arg12[%get3A_87, %get3A_88] : memref<1024x1xf32, #tpu.memory_space<vmem>>, vector<1024x1xf32>
      %mul3A_90 = arith.constant 6.10351563E-5 : f32
      %mul3A_91 = vector.broadcast %mul3A_90 : f32 to vector<1024x1xf32>
      %mul3A_92 = arith.mulf %get3A_89, %mul3A_91 : vector<1024x1xf32>
      %add3A_93 = arith.constant 1.000000e-10 : f32
      %add3A_94 = vector.broadcast %add3A_93 : f32 to vector<1024x1xf32>
      %add3A_95 = arith.addf %mul3A_92, %add3A_94 : vector<1024x1xf32>
      %log3A = math.log %add3A_95 : vector<1024x1xf32>
      %mul3A_96 = arith.mulf %mul3A_92, %log3A : vector<1024x1xf32>
      %reduce_sum3A_97 = arith.constant dense<0.000000e+00> : vector<1xf32>
      %reduce_sum3A_98 = vector.multi_reduction <add>, %mul3A_96, %reduce_sum3A_97 [0] : vector<1024x1xf32> to vector<1xf32>
      %broadcast_in_dim3A_99 = vector.shape_cast %reduce_sum3A_98 : vector<1xf32> to vector<1x1xf32>
      %neg3A = arith.constant 0.000000e+00 : f32
      %neg3A_100 = vector.broadcast %neg3A : f32 to vector<1x1xf32>
      %neg3A_101 = arith.subf %neg3A_100, %broadcast_in_dim3A_99 : vector<1x1xf32>
      %exp3A_102 = math.exp %neg3A_101 : vector<1x1xf32>
      %swap3A_103 = arith.constant 0 : index
      %swap3A_104 = arith.constant 0 : index
      %swap3A_105 = vector.load %arg11[%swap3A_103, %swap3A_104] : memref<1x1xf32, #tpu.memory_space<vmem>>, vector<1x1xf32>
      tpu.vector_store %arg11[%swap3A_103, %swap3A_104], %exp3A_102 {strides = array<i32>} : memref<1x1xf32, #tpu.memory_space<vmem>>, vector<1x1xf32>,
      %get3A_106 = arith.constant 0 : index
      %get3A_107 = arith.constant 0 : index
      %get3A_108 = vector.load %arg13[%get3A_106, %get3A_107] : memref<1x1xf32, #tpu.memory_space<vmem>>, vector<1x1xf32>
      %mul3A_109 = arith.constant 1.1920929E-6 : f32
      %mul3A_110 = vector.broadcast %mul3A_109 : f32 to vector<1x1xf32>
      %mul3A_111 = arith.mulf %get3A_108, %mul3A_110 : vector<1x1xf32>
      %swap3A_112 = arith.constant 0 : index
      %swap3A_113 = arith.constant 0 : index
      %swap3A_114 = vector.load %arg10[%swap3A_112, %swap3A_113] : memref<1x1xf32, #tpu.memory_space<vmem>>, vector<1x1xf32>
      tpu.vector_store %arg10[%swap3A_112, %swap3A_113], %mul3A_111 {strides = array<i32>} : memref<1x1xf32, #tpu.memory_space<vmem>>, vector<1x1xf32>,
    } else {
    }
    return
  }
  func.func @transform_0(%arg0: i32) -> (i32, i32, i32) {
    %c0_i32 = arith.constant 0 : i32
    %c0_i32_0 = arith.constant 0 : i32
    %c0_i32_1 = arith.constant 0 : i32
    return %arg0, %c0_i32, %c0_i32_0 : i32, i32, i32
  }
  func.func @transform_1(%arg0: i32) -> (i32, i32) {
    %c0_i32 = arith.constant 0 : i32
    %c0_i32_0 = arith.constant 0 : i32
    %c0_i32_1 = arith.constant 0 : i32
    return %c0_i32, %c0_i32_0 : i32, i32
  }
  func.func @transform_2(%arg0: i32) -> (i32, i32) {
    %c0_i32 = arith.constant 0 : i32
    %c0_i32_0 = arith.constant 0 : i32
    %c0_i32_1 = arith.constant 0 : i32
    return %c0_i32, %c0_i32_0 : i32, i32
  }
  func.func @transform_3(%arg0: i32) -> (i32, i32, i32) {
    %c0_i32 = arith.constant 0 : i32
    %c0_i32_0 = arith.constant 0 : i32
    %c0_i32_1 = arith.constant 0 : i32
    return %arg0, %c0_i32, %c0_i32_0 : i32, i32, i32
  }
  func.func @transform_4(%arg0: i32) -> (i32, i32) {
    %c0_i32 = arith.constant 0 : i32
    %c0_i32_0 = arith.constant 0 : i32
    %c0_i32_1 = arith.constant 0 : i32
    return %c0_i32, %c0_i32_0 : i32, i32
  }
  func.func @transform_5(%arg0: i32) -> (i32, i32, i32) {
    %c0_i32 = arith.constant 0 : i32
    %c0_i32_0 = arith.constant 0 : i32
    %c0_i32_1 = arith.constant 0 : i32
    return %arg0, %c0_i32, %c0_i32_0 : i32, i32, i32
  }
  func.func @transform_6(%arg0: i32) -> (i32, i32, i32) {
    %c0_i32 = arith.constant 0 : i32
    %c0_i32_0 = arith.constant 0 : i32
    %c0_i32_1 = arith.constant 0 : i32
    return %arg0, %c0_i32, %c0_i32_0 : i32, i32, i32
  }
  func.func @transform_7(%arg0: i32) -> (i32, i32, i32) {
    %c0_i32 = arith.constant 0 : i32
    %c0_i32_0 = arith.constant 0 : i32
    %c0_i32_1 = arith.constant 0 : i32
    return %arg0, %c0_i32, %c0_i32_0 : i32, i32, i32
  }
  func.func @transform_8(%arg0: i32) -> (i32, i32, i32) {
    %c0_i32 = arith.constant 0 : i32
    %c0_i32_0 = arith.constant 0 : i32
    %c0_i32_1 = arith.constant 0 : i32
    return %arg0, %c0_i32, %c0_i32_0 : i32, i32, i32
  }
  func.func @transform_9(%arg0: i32) -> (i32, i32) {
    %c0_i32 = arith.constant 0 : i32
    %c0_i32_0 = arith.constant 0 : i32
    %c0_i32_1 = arith.constant 0 : i32
    return %c0_i32, %c0_i32_0 : i32, i32
  }
  func.func @transform_10(%arg0: i32) -> (i32, i32) {
    %c0_i32 = arith.constant 0 : i32
    %c0_i32_0 = arith.constant 0 : i32
    %c0_i32_1 = arith.constant 0 : i32
    return %c0_i32, %c0_i32_0 : i32, i32
  }
}

</mosaic_0001>

<sc_bundles>
// kernel: kernel.4.cloned.1.call-start
scs
__scs_entry_jumppad:
0x0: {  	(pc) =	sbr.rel $0x88, $3  }
0x1: {  	(tag) =	ssettag $0x0;
	lr =	simm.s32 $0x1  }
0x2: {  	[smem:$0x3F9F] =	sst lr;
	_ =	strace $0xD0000000  }
0x3: {  	_ = 	snop  }
0x4: {  	_ = 	snop  }
0x5: {  	_ = 	snop  }
0x6: {  	_ = 	snop  }
0x7: {  	_ = 	snop  }
__scs_overlays_trampoline_lowered:
0x8: {  	[smem:$0x3FAE] =	sst s0  }
0x9: {  	[smem:$0x3FAF] =	sst s1  }
0xa: {  	[smem:$0x3FB0] =	sst s2  }
0xb: {  	[smem:$0x3FB1] =	sst s3  }
0xc: {  	[smem:$0x3FB2] =	sst s4  }
0xd: {  	[smem:$0x3FB3] =	sst s5  }
0xe: {  	[smem:$0x3FB4] =	sst s6  }
0xf: {  	[smem:$0x3FB5] =	sst s7  }
0x10: {  	[smem:$0x3FB6] =	sst s8  }
0x11: {  	[smem:$0x3FB7] =	sst s9;
	s0 =	simm.s32 @!p0 $0x0  }
0x12: {  	s1 =	sld [smem:$0x3F9D];
	s0 =	simm.s32 @p0 $0x1  }
0x13: {  	[smem:$0x3FB8] =	sst s0;
	s0 =	simm.s32 @!p1 $0x0  }
0x14: {  	s2 =	sld [smem:$0x3F9C];
	s0 =	simm.s32 @p1 $0x1  }
0x15: {  	[smem:$0x3FB9] =	sst s0;
	s0 =	simm.s32 @!p2 $0x0  }
0x16: {  	s3 =	sld [smem:$0x3FDB];
	s0 =	simm.s32 @p2 $0x1  }
0x17: {  	s4 =	simm.s32 $0x1BF5;
	[smem:$0x3FBB] =	sst s0  }
0x18: {  	s0 =	sld [smem:$0x3F9E];
	_ =	swait.ge [sflag:s4], $0x0  }
0x19: {  	s7 =	sld [smem:$0x3F9F]  }
0x1a: {  	s8 =	sadd.s32 $0xFFFFE003, lr  }
0x1b: {  	s9 =	sadd.s32 $0xFFFFFEF7, lr;
	s5 =	simm.s32 $0xFFFFFFFF;
	p2 =	slt.u32 s8, $0xFFFFF086  }
0x1c: {  	p1 =	slt.u32 s9, $0xF7A;
	s5 =	simm.s32 @!p2 $0x0  }
0x1d: {  	s5 =	simm.s32 @p1 $0x1;
	p0 =	seq.s32 s7, s2  }
0x1e: {  	s7 =	smul.u32 @!p0 $0xF7A, s2;
	p2 =	seq.s32 @!p0 s5, $0x0  }
0x1f: {  	s9 =	smul.u32 $0xF7A, s1;
	s8 =	simm.s32 @!p0 $0x1BF5;
	p2 =	por !p2, p0  }
0x20: {  	[sflag:s8] =	ssyncset.s32 @!p0 $0xFFFFF086;
	s6 =	sadd.s32 @!p0 s3, s7;
	s7 =	simm.s32 @!p0 $0x108  }
0x21: {  	s3 =	sadd.s32 s3, s9;
	s6 =	sadd.s32 @!p0 $0x88, s6;
	s7 =	simm.s32 @p2 $0x1082  }
0x22: {  	[simem:s7], [sflag:s8] =	dma.local @!p0 [hbm:s6], $0xF7A  }
0x23: {  	s9 =	sor.u32 $0xD0000000, s2;
	s6 =	simm.s32 $0x108;
	_ =	swait.ge @!p0 [sflag:s8], $0x0  }
0x24: {  	s3 =	sadd.s32 $0x88, s3;
	s6 =	simm.s32 @!p1 $0x1082;
	[sflag:s4] =	ssyncset.s32 $0xFFFFF086  }
0x25: {  	[simem:s6], [sflag:s4] =	dma.local [hbm:s3], $0xF7A  }
0x26: {  	[smem:$0x3F9F] =	sst s1;
	(tag) =	ssettag s2;
	_ =	strace s9  }
0x27: {  	s1 =	sld [smem:$0x3FAF]  }
0x28: {  	s2 =	sld [smem:$0x3FB0]  }
0x29: {  	s4 =	sld [smem:$0x3FB2]  }
0x2a: {  	p0 =	seq.s32 s5, $0x0;
	s5 =	sld [smem:$0x3FB3]  }
0x2b: {  	s6 =	sld [smem:$0x3FB4]  }
0x2c: {  	s7 =	sld [smem:$0x3FB5]  }
0x2d: {  	s3 =	simm.s32 $0x108;
	s8 =	sld [smem:$0x3FB6]  }
0x2e: {  	s3 =	simm.s32 @!p0 $0x1082;
	s9 =	sld [smem:$0x3FB7]  }
0x2f: {  	lr =	sadd.s32 s0, s3;
	s0 =	sld [smem:$0x3FAE]  }
0x30: {  	s3 =	sld [smem:$0x3FB1]  }
0x31: {  	[smem:$0x3FBA] =	sst s10  }
0x32: {  	s10 =	sld [smem:$0x3FB8];
	_ =	sdelay $0x3  }
0x33: {  	p0 =	seq.s32 s10, $0x1;
	s10 =	sld [smem:$0x3FBA];
	_ =	sdelay $0x3  }
0x34: {  	[smem:$0x3FBA] =	sst s10  }
0x35: {  	s10 =	sld [smem:$0x3FB9];
	_ =	sdelay $0x3  }
0x36: {  	p1 =	seq.s32 s10, $0x1;
	s10 =	sld [smem:$0x3FBA];
	_ =	sdelay $0x3  }
0x37: {  	[smem:$0x3FBA] =	sst s10  }
0x38: {  	s10 =	sld [smem:$0x3FBB]  }
0x39: {  	_ = 	snop;
	(pc) =	sbr.ind lr, $3  }
0x3a: {  	_ = 	snop  }
0x3b: {  	_ = 	snop  }
0x3c: {  	p2 =	seq.s32 s10, $0x1;
	s10 =	sld [smem:$0x3FBA]  }
0x3d: {  	_ =	shalt  }
0x3e: {  	_ =	shalt  }
0x3f: {  	_ =	shalt  }
0x40: {  	_ =	shalt  }
0x41: {  	_ =	shalt  }
0x42: {  	_ =	shalt  }
0x43: {  	_ =	shalt  }
0x44: {  	_ =	shalt  }
0x45: {  	_ =	shalt  }
0x46: {  	_ =	shalt  }
0x47: {  	_ =	shalt  }
0x48: {  	_ =	shalt  }
0x49: {  	_ =	shalt  }
0x4a: {  	_ =	shalt  }
0x4b: {  	_ =	shalt  }
0x4c: {  	_ =	shalt  }
0x4d: {  	_ =	shalt  }
0x4e: {  	_ =	shalt  }
0x4f: {  	_ =	shalt  }
0x50: {  	_ =	shalt  }
0x51: {  	_ =	shalt  }
0x52: {  	_ =	shalt  }
0x53: {  	_ =	shalt  }
0x54: {  	_ =	shalt  }
0x55: {  	_ =	shalt  }
0x56: {  	_ =	shalt  }
0x57: {  	_ =	shalt  }
0x58: {  	_ =	shalt  }
0x59: {  	_ =	shalt  }
0x5a: {  	_ =	shalt  }
0x5b: {  	_ =	shalt  }
0x5c: {  	_ =	shalt  }
0x5d: {  	_ =	shalt  }
0x5e: {  	_ =	shalt  }
0x5f: {  	_ =	shalt  }
0x60: {  	_ =	shalt  }
0x61: {  	_ =	shalt  }
0x62: {  	_ =	shalt  }
0x63: {  	_ =	shalt  }
0x64: {  	_ =	shalt  }
0x65: {  	_ =	shalt  }
0x66: {  	_ =	shalt  }
0x67: {  	_ =	shalt  }
0x68: {  	_ =	shalt  }
0x69: {  	_ =	shalt  }
0x6a: {  	_ =	shalt  }
0x6b: {  	_ =	shalt  }
0x6c: {  	_ =	shalt  }
0x6d: {  	_ =	shalt  }
0x6e: {  	_ =	shalt  }
0x6f: {  	_ =	shalt  }
0x70: {  	_ =	shalt  }
0x71: {  	_ =	shalt  }
0x72: {  	_ =	shalt  }
0x73: {  	_ =	shalt  }
0x74: {  	_ =	shalt  }
0x75: {  	_ =	shalt  }
0x76: {  	_ =	shalt  }
0x77: {  	_ =	shalt  }
0x78: {  	_ =	shalt  }
0x79: {  	_ =	shalt  }
0x7a: {  	_ =	shalt  }
0x7b: {  	_ =	shalt  }
0x7c: {  	_ =	shalt  }
0x7d: {  	_ =	shalt  }
0x7e: {  	_ =	shalt  }
0x7f: {  	_ =	shalt  }
0x80: {  	_ =	shalt  }
0x81: {  	_ =	shalt  }
0x82: {  	_ =	shalt  }
0x83: {  	_ =	shalt  }
0x84: {  	_ =	shalt  }
0x85: {  	_ =	shalt  }
0x86: {  	_ =	shalt  }
0x87: {  	_ =	shalt  }
.Lfunc_end0:
.L_simem_size_0:
called_computation_lowered:
.L_overlay_start_0:
0x88: {  	s2 =	sld [smem:$0x3FD9]  }
0x89: {  	s3 =	sld [smem:$0x3FFE];
	_ =	sdelay $0x1  }
0x8a: {  	s1 =	srdreg.scid  }
0x8b: {  	s0 =	sand.u32 $0x1, s1  }
0x8c: {  	s16 =	sshll.u32 s0, $0xA;
	s2 =	sadd.s32 s3, s2  }
0x8d: {  	s2 =	sadd.s32 s2, s16  }
0x8e: {  	[smem:$0x3FC6] =	sst s2  }
0x8f: {  	_ = 	snop  }
0x90: {  	(tm) =	ssettm $0x1  }
0x91: {  	s17 =	sld [smem:$0x3FFB];
	_ =	sdelay $0x3  }
0x92: {  	_ =	strace s17  }
0x93: {  	s2 =	sld [smem:$0x3FFC];
	_ =	sdelay $0x3  }
0x94: {  	_ =	strace s2  }
0x95: {  	s2 =	sld [smem:$0x3FFD];
	_ =	sdelay $0x3  }
0x96: {  	_ =	strace s2  }
0x97: {  	_ =	strace $0x8FFFFFFF  }
0x98: {  	s18 =	sld [smem:$0x3FDB];
	_ =	sdelay $0x1  }
0x99: {  	s19 =	simm.s32 $_scs_section_size  }
0x9a: {  	s4 =	simm.s32 $_size__tile_overlayer_lowered;
	s5 =	simm.s32 $_tile_overlayer_lowered  }
0x9b: {  	s22 =	simm.s32 $0x1BFF;
	s21 =	sshll.u32 s5, $0x1;
	s2 =	sadd.s32 s19, s18  }
0x9c: {  	s6 =	simm.s32 $0x0;
	s20 =	sshll.u32 s4, $0x1;
	s4 =	sadd.s32 s21, s2  }
0x9d: {  	[timem:s6], [sflag:s22] =	dma.local [hbm:s4], s20  }
0x9e: {  	_ =	swait.ge [sflag:s22], s20  }
0x9f: {  	s3 =	ssub.s32 $0x0, s20;
	[sflag:s22] =	ssyncset.done $0x0  }
0xa0: {  	[sflag:s22] =	ssyncadd.s32 s3;
	_ =	sdelay $0x1  }
0xa1: {  	s23 =	simm.s32 $0x1B8B  }
0xa2: {  	_ =	swait.ge [sflag:s23], $0x1  }
0xa3: {  	[sflag:s23] =	ssyncset.done $0x0  }
0xa4: {  	s25 =	simm.s32 $0x1B8E;
	s24 =	sld [smem:$0x3FFE];
	[sflag:s23] =	ssyncadd.s32 $0xFFFFFFFF  }
0xa5: {  	s26 =	simm.s32 $execute0_lowered;
	[smem:$0x3FD2] =	sst s25  }
0xa6: {  	s4 =	sshll.u32 s26, $0x1;
	_ =	strace $0x80000046;
	[dreg:$0x1] =	wrdreg $0xFFFFFFFF  }
0xa7: {  	s28 =	simm.s32 $_size_execute0_lowered;
	s2 =	sadd.s32 s2, s4;
	[dreg:$0x0] =	wrdreg $0x0  }
0xa8: {  	s4 =	sshll.u32 s28, $0x1;
	[dreg:$0x2] =	wrdreg s2  }
0xa9: {  	[dreg:$0x3] =	wrdreg s4  }
0xaa: {  	[dreg:$0x4] =	wrdreg $0xC0  }
0xab: {  	_ =	task [dreg:s6], $0x5FFFF  }
0xac: {  	[dreg:$0x1] =	wrdreg $0xFFFFFFFF  }
0xad: {  	[dreg:$0x0] =	wrdreg $0x60  }
0xae: {  	[dreg:$0x2] =	wrdreg s24  }
0xaf: {  	[dreg:$0x3] =	wrdreg $0x9  }
0xb0: {  	_ =	task.clear_ibuf [dreg:s6], $0x4FFFF;
	_ =	strace $0x90000046  }
0xb1: {  	s29 =	simm.s32 $0x9;
	_ =	strace $0x80000048  }
0xb2: {  	_ =	swait.ge [sflag:s29], $0x1  }
0xb3: {  	[sflag:s29] =	ssyncadd.s32 $0xFFFFFFFF  }
0xb4: {  	_ =	strace $0x90000048  }
0xb5: {  	_ =	sfence  }
0xb6: {  	s30 =	sld [smem:$0x0];
	_ =	sdelay $0x2  }
0xb7: {  	s31 =	sshll.u32 s1, $0xD;
	s1 =	sshrl.u32 s1, $0x2  }
0xb8: {  	s3 =	sand.u32 $0x4000, s31;
	s1 =	sadd.s32 s1, s30  }
0xb9: {  	s0 =	sor.u32 s3, s0;
	s1 =	sshll.u32 s1, $0x11  }
0xba: {  	s0 =	sor.u32 s1, s0  }
0xbb: {  	s0 =	sadd.s32 $0x8F2B, s0  }
0xbc: {  	[sflag:s0] =	ssyncadd.remote.s32 $0x1  }
0xbd: {  	_ =	sfence.sel $0xFFFF  }
0xbe: {  	[dreg:$0x0] =	wrdreg $0xFFFFFFFF;
	(pc) =	sbr.abs _section_cstart, $3  }
0xbf: {  	[dreg:$0x1] =	wrdreg $0xFFFFFFFF  }
0xc0: {  	_ =	task.clear_ibuf [dreg:s6], $0x2FFFF;
	_ =	strace $0x9FFFFFFF  }
0xc1: {  	(tm) =	ssettm $0x7FFFFFFF  }
tec
execute0_lowered:
.L_overlay_start_1:
0x0: {  	(tag) =	ssettag $0x1  }
0x1: {  	s1 =	srdreg.scid;
	s0 =	stileid.u32  }
0x2: {  	s2 =	rddreg [dreg:$0x0];
	s10 =	simm.s32 $0x10200;
	s4 =	sand.u32 $0x1, s1  }
0x3: {  	s11 =	simm.s32 $0x0;
	s5 =	sshll.u32 s0, $0x9;
	s3 =	sshll.u32 s4, $0xD  }
0x4: {  	s1 =	rddreg [dreg:$0x1];
	s7 =	sand.u32 $0x1, s0;
	s6 =	sor.u32 s5, s3  }
0x5: {  	p1 =	seq.s32 s7, $0x1;
	s7 =	simm.s32 $0x1;
	p0 =	seq.s32 s6, $0x0  }
0x6: {  	s4 =	ssub.s32 $0x2, s4;
	s3 =	simm.s32 $0x0;
	p0 =	por !p0, !p1  }
0x7: {  	s5 =	sand.u32 $0x200, s5;
	s31 =	sshrl.u32 s4, $0x1;
	p0 =	por !p0, !p0  }
0x8: {  	s8 =	sshrl.u32 s6, $0x3;
	s6 =	sshrl.u32 s6, $0xA;
	s7 =	simm.s32 @!p0 $0x0  }
0x9: {  	[smem:$0x7FF] =	sst s3;
	s9 =	sadd.s32 s5, s2;
	s6 =	ssub.s32 s6, s7  }
0xa: {  	s5 =	simm.s32 $0x1;
	_ =	strace $0x80000047;
	s6 =	sshll.u32 s6, $0xD  }
0xb: {  	s8 =	sadd.s32 s8, s2;
	s7 =	ssub.s32 s4, s31;
	s6 =	sand.u32 $0x1FFFE000, s6  }
0xc: {  	s4 =	sadd.s32 $0x2000, s8;
	s8 =	simm.s32 $0x1000;
	s6 =	sadd.s32 s6, s9  }
0xd: {  	s7 =	smax.u32 s7, $0x1;
	s9 =	simm.s32 $0x2000;
	s6 =	sadd.s32 $0x2800, s6  }
.LBB2_1:
0xe: {  	[tilespmem:s3], [sflag:$0x1] =	stream.linear.gather [hbm4b:s2+s3], $0x10000, $0x38;
	[tilespmem:$0x18200] =	vst v63  }
0xf: {  	_ =	swait.ge [sflag:s5], $0x10000  }
0x10: {  	[sflag:s5] =	ssyncset.done $0x0  }
0x11: {  	s12 =	simm.s32 $0x10000;
	[sflag:s5] =	ssyncadd.s32 $0xFFFF0000  }
0x12: {  	[tilespmem:s12], [sflag:$0x1] =	stream.linear.gather [hbm4b:s4+s3], $0x200, $0x38;
	[tilespmem:$0x18200] =	vst v63  }
0x13: {  	_ =	swait.ge [sflag:s5], $0x200  }
0x14: {  	[sflag:s5] =	ssyncset.done $0x0  }
0x15: {  	[sflag:s5] =	ssyncadd.s32 $0xFFFFFE00  }
0x16: {  	v0 =	vld [tilespmem:s12+$0x0];
	_ =	sdelay $0x4  }
0x17: {  	v6 =	vshll.u32 v0, $0x6;
	_ =	sdelay $0x4  }
0x18: {  	v0 =	vld.idx.msk [tilespmem:v6+s3+$0x0], $0xffff  }
0x19: {  	v1 =	vor.u32 $0x1, v6;
	_ =	sdelay $0x1  }
0x1a: {  	s21 =	sand.u32 $0x70, s3;
	s13 =	sand.u32 $0xC00, s3  }
0x1b: {  	s18 =	sor.u32 s21, s13  }
0x1c: {  	[tilespmem:s18+$0x10200] =	vst v0  }
0x1d: {  	v0 =	vld.idx.msk [tilespmem:v1+s3+$0x0], $0xffff  }
0x1e: {  	v1 =	vor.u32 $0x2, v6;
	_ =	sdelay $0x3  }
0x1f: {  	[tilespmem:s18+$0x10280] =	vst v0  }
0x20: {  	v0 =	vld.idx.msk [tilespmem:v1+s3+$0x0], $0xffff  }
0x21: {  	v1 =	vor.u32 $0x3, v6;
	_ =	sdelay $0x3  }
0x22: {  	[tilespmem:s18+$0x10300] =	vst v0  }
0x23: {  	v0 =	vld.idx.msk [tilespmem:v1+s3+$0x0], $0xffff  }
0x24: {  	v1 =	vor.u32 $0x4, v6;
	_ =	sdelay $0x2  }
0x25: {  	s22 =	simm.s32 $0x10010  }
0x26: {  	v2 =	vld [tilespmem:s22+$0x0];
	[tilespmem:s18+$0x10380] =	vst v0  }
0x27: {  	v0 =	vld.idx.msk [tilespmem:v1+s3+$0x0], $0xffff  }
0x28: {  	v1 =	vor.u32 $0x5, v6;
	_ =	sdelay $0x3  }
0x29: {  	[tilespmem:s18+$0x10400] =	vst v0  }
0x2a: {  	v0 =	vld.idx.msk [tilespmem:v1+s3+$0x0], $0xffff  }
0x2b: {  	v1 =	vor.u32 $0x6, v6;
	_ =	sdelay $0x3  }
0x2c: {  	[tilespmem:s18+$0x10480] =	vst v0  }
0x2d: {  	v0 =	vld.idx.msk [tilespmem:v1+s3+$0x0], $0xffff  }
0x2e: {  	v1 =	vor.u32 $0x7, v6;
	_ =	sdelay $0x3  }
0x2f: {  	[tilespmem:s18+$0x10500] =	vst v0  }
0x30: {  	v0 =	vld.idx.msk [tilespmem:v1+s3+$0x0], $0xffff  }
0x31: {  	v1 =	vor.u32 $0x8, v6;
	_ =	sdelay $0x1  }
0x32: {  	s23 =	sor.u32 s3, s3  }
0x33: {  	s12 =	sor.u32 $0x380, s23  }
0x34: {  	[tilespmem:s12+$0x10200] =	vst v0  }
0x35: {  	v0 =	vld.idx.msk [tilespmem:v1+s3+$0x0], $0xffff  }
0x36: {  	v1 =	vor.u32 $0x9, v6;
	_ =	sdelay $0x1  }
0x37: {  	v2 =	vshll.u32 v2, $0x6;
	_ =	sdelay $0x1  }
0x38: {  	[tilespmem:s18+$0x11200] =	vst v0  }
0x39: {  	v0 =	vld.idx.msk [tilespmem:v1+s3+$0x0], $0xffff  }
0x3a: {  	v1 =	vor.u32 $0xA, v6  }
0x3b: {  	v3 =	vld.idx.msk [tilespmem:v2+s3+$0x0], $0xffff  }
0x3c: {  	v4 =	vor.u32 $0x1, v2  }
0x3d: {  	s24 =	simm.s32 $0x10;
	s25 =	simm.s32 $0x80  }
0x3e: {  	s14 =	sand.u32 $0x70, s24;
	s15 =	sand.u32 $0xC00, s25;
	[tilespmem:s18+$0x11280] =	vst v0  }
0x3f: {  	s14 =	sor.u32 s14, s15;
	v0 =	vld.idx.msk [tilespmem:v1+s3+$0x0], $0xffff  }
0x40: {  	[tilespmem:s14+$0x10200] =	vst v3;
	v1 =	vor.u32 $0xB, v6  }
0x41: {  	v3 =	vld.idx.msk [tilespmem:v4+s3+$0x0], $0xffff  }
0x42: {  	v4 =	vor.u32 $0x2, v2;
	_ =	sdelay $0x1  }
0x43: {  	[tilespmem:s18+$0x11300] =	vst v0  }
0x44: {  	v0 =	vld.idx.msk [tilespmem:v1+s3+$0x0], $0xffff  }
0x45: {  	[tilespmem:s14+$0x10280] =	vst v3;
	v1 =	vor.u32 $0xC, v6  }
0x46: {  	v3 =	vld.idx.msk [tilespmem:v4+s3+$0x0], $0xffff  }
0x47: {  	v4 =	vor.u32 $0x3, v2;
	_ =	sdelay $0x1  }
0x48: {  	[tilespmem:s18+$0x11380] =	vst v0  }
0x49: {  	v0 =	vld.idx.msk [tilespmem:v1+s3+$0x0], $0xffff  }
0x4a: {  	[tilespmem:s14+$0x10300] =	vst v3;
	v1 =	vor.u32 $0xD, v6  }
0x4b: {  	v3 =	vld.idx.msk [tilespmem:v4+s3+$0x0], $0xffff  }
0x4c: {  	v4 =	vor.u32 $0x4, v2;
	_ =	sdelay $0x1  }
0x4d: {  	[tilespmem:s18+$0x11400] =	vst v0  }
0x4e: {  	v0 =	vld.idx.msk [tilespmem:v1+s3+$0x0], $0xffff  }
0x4f: {  	[tilespmem:s14+$0x10380] =	vst v3;
	v1 =	vor.u32 $0xE, v6  }
0x50: {  	v3 =	vld.idx.msk [tilespmem:v4+s3+$0x0], $0xffff  }
0x51: {  	v4 =	vor.u32 $0x5, v2;
	_ =	sdelay $0x1  }
0x52: {  	[tilespmem:s18+$0x11480] =	vst v0  }
0x53: {  	v0 =	vld.idx.msk [tilespmem:v1+s3+$0x0], $0xffff  }
0x54: {  	[tilespmem:s14+$0x10400] =	vst v3;
	v1 =	vor.u32 $0xF, v6  }
0x55: {  	v3 =	vld.idx.msk [tilespmem:v4+s3+$0x0], $0xffff  }
0x56: {  	v4 =	vor.u32 $0x6, v2;
	_ =	sdelay $0x1  }
0x57: {  	[tilespmem:s18+$0x11500] =	vst v0  }
0x58: {  	v0 =	vld.idx.msk [tilespmem:v1+s3+$0x0], $0xffff  }
0x59: {  	[tilespmem:s14+$0x10480] =	vst v3;
	v1 =	vor.u32 $0x10, v6  }
0x5a: {  	v3 =	vld.idx.msk [tilespmem:v4+s3+$0x0], $0xffff  }
0x5b: {  	v4 =	vor.u32 $0x7, v2;
	_ =	sdelay $0x1  }
0x5c: {  	[tilespmem:s18+$0x11580] =	vst v0  }
0x5d: {  	v0 =	vld.idx.msk [tilespmem:v1+s3+$0x0], $0xffff  }
0x5e: {  	[tilespmem:s14+$0x10500] =	vst v3;
	v1 =	vor.u32 $0x11, v6  }
0x5f: {  	v3 =	vld.idx.msk [tilespmem:v4+s3+$0x0], $0xffff  }
0x60: {  	v4 =	vor.u32 $0x8, v2  }
0x61: {  	s26 =	simm.s32 $0x10020  }
0x62: {  	v5 =	vld [tilespmem:s26+$0x0];
	s12 =	sor.u32 s25, s24;
	[tilespmem:s18+$0x12200] =	vst v0  }
0x63: {  	s12 =	sor.u32 $0x380, s12;
	v1 =	vld.idx.msk [tilespmem:v1+s3+$0x0], $0xffff  }
0x64: {  	[tilespmem:s12+$0x10200] =	vst v3;
	v3 =	vor.u32 $0x12, v6  }
0x65: {  	v4 =	vld.idx.msk [tilespmem:v4+s3+$0x0], $0xffff  }
0x66: {  	v7 =	vor.u32 $0x9, v2;
	_ =	sdelay $0x1  }
0x67: {  	v0 =	vshll.u32 v5, $0x6;
	[tilespmem:s18+$0x12280] =	vst v1  }
0x68: {  	v1 =	vld.idx.msk [tilespmem:v3+s3+$0x0], $0xffff  }
0x69: {  	[tilespmem:s14+$0x11200] =	vst v4;
	v3 =	vor.u32 $0x13, v6  }
0x6a: {  	v4 =	vld.idx.msk [tilespmem:v7+s3+$0x0], $0xffff  }
0x6b: {  	v5 =	vor.u32 $0xA, v2  }
0x6c: {  	v7 =	vld.idx.msk [tilespmem:v0+s3+$0x0], $0xffff  }
0x6d: {  	v8 =	vor.u32 $0x1, v0;
	[tilespmem:s18+$0x12300] =	vst v1  }
0x6e: {  	s28 =	simm.s32 $0x20;
	s29 =	simm.s32 $0x100;
	v1 =	vld.idx.msk [tilespmem:v3+s3+$0x0], $0xffff  }
0x6f: {  	s30 =	sand.u32 $0x70, s28;
	s16 =	sand.u32 $0xC00, s29;
	[tilespmem:s14+$0x11280] =	vst v4;
	v3 =	vor.u32 $0x14, v6  }
0x70: {  	s12 =	sor.u32 s30, s16;
	v4 =	vld.idx.msk [tilespmem:v5+s3+$0x0], $0xffff  }
0x71: {  	v5 =	vor.u32 $0xB, v2;
	[tilespmem:s12+$0x10200] =	vst v7  }
0x72: {  	v7 =	vld.idx.msk [tilespmem:v8+s3+$0x0], $0xffff  }
0x73: {  	v8 =	vor.u32 $0x2, v0;
	[tilespmem:s18+$0x12380] =	vst v1  }
0x74: {  	v1 =	vld.idx.msk [tilespmem:v3+s3+$0x0], $0xffff  }
0x75: {  	[tilespmem:s14+$0x11300] =	vst v4;
	v3 =	vor.u32 $0x15, v6  }
0x76: {  	v4 =	vld.idx.msk [tilespmem:v5+s3+$0x0], $0xffff  }
0x77: {  	v5 =	vor.u32 $0xC, v2;
	[tilespmem:s12+$0x10280] =	vst v7  }
0x78: {  	v7 =	vld.idx.msk [tilespmem:v8+s3+$0x0], $0xffff  }
0x79: {  	v8 =	vor.u32 $0x3, v0;
	[tilespmem:s18+$0x12400] =	vst v1  }
0x7a: {  	v1 =	vld.idx.msk [tilespmem:v3+s3+$0x0], $0xffff  }
0x7b: {  	[tilespmem:s14+$0x11380] =	vst v4;
	v3 =	vor.u32 $0x16, v6  }
0x7c: {  	v4 =	vld.idx.msk [tilespmem:v5+s3+$0x0], $0xffff  }
0x7d: {  	v5 =	vor.u32 $0xD, v2;
	[tilespmem:s12+$0x10300] =	vst v7  }
0x7e: {  	v7 =	vld.idx.msk [tilespmem:v8+s3+$0x0], $0xffff  }
0x7f: {  	v8 =	vor.u32 $0x4, v0;
	[tilespmem:s18+$0x12480] =	vst v1  }
0x80: {  	v1 =	vld.idx.msk [tilespmem:v3+s3+$0x0], $0xffff  }
0x81: {  	[tilespmem:s14+$0x11400] =	vst v4;
	v3 =	vor.u32 $0x17, v6  }
0x82: {  	v4 =	vld.idx.msk [tilespmem:v5+s3+$0x0], $0xffff  }
0x83: {  	v5 =	vor.u32 $0xE, v2;
	[tilespmem:s12+$0x10380] =	vst v7  }
0x84: {  	v7 =	vld.idx.msk [tilespmem:v8+s3+$0x0], $0xffff  }
0x85: {  	v8 =	vor.u32 $0x5, v0;
	[tilespmem:s18+$0x12500] =	vst v1  }
0x86: {  	v1 =	vld.idx.msk [tilespmem:v3+s3+$0x0], $0xffff  }
0x87: {  	[tilespmem:s14+$0x11480] =	vst v4;
	v3 =	vor.u32 $0x18, v6  }
0x88: {  	v4 =	vld.idx.msk [tilespmem:v5+s3+$0x0], $0xffff  }
0x89: {  	v5 =	vor.u32 $0xF, v2;
	[tilespmem:s12+$0x10400] =	vst v7  }
0x8a: {  	v7 =	vld.idx.msk [tilespmem:v8+s3+$0x0], $0xffff  }
0x8b: {  	v8 =	vor.u32 $0x6, v0;
	[tilespmem:s18+$0x12580] =	vst v1  }
0x8c: {  	v1 =	vld.idx.msk [tilespmem:v3+s3+$0x0], $0xffff  }
0x8d: {  	[tilespmem:s14+$0x11500] =	vst v4;
	v3 =	vor.u32 $0x19, v6  }
0x8e: {  	v4 =	vld.idx.msk [tilespmem:v5+s3+$0x0], $0xffff  }
0x8f: {  	v5 =	vor.u32 $0x10, v2;
	[tilespmem:s12+$0x10480] =	vst v7  }
0x90: {  	v7 =	vld.idx.msk [tilespmem:v8+s3+$0x0], $0xffff  }
0x91: {  	v8 =	vor.u32 $0x7, v0;
	[tilespmem:s18+$0x13200] =	vst v1  }
0x92: {  	v1 =	vld.idx.msk [tilespmem:v3+s3+$0x0], $0xffff  }
0x93: {  	[tilespmem:s14+$0x11580] =	vst v4;
	v3 =	vor.u32 $0x1A, v6  }
0x94: {  	v4 =	vld.idx.msk [tilespmem:v5+s3+$0x0], $0xffff  }
0x95: {  	v5 =	vor.u32 $0x11, v2;
	[tilespmem:s12+$0x10500] =	vst v7  }
0x96: {  	v7 =	vld.idx.msk [tilespmem:v8+s3+$0x0], $0xffff  }
0x97: {  	v8 =	vor.u32 $0x8, v0;
	[tilespmem:s18+$0x13280] =	vst v1  }
0x98: {  	s31 =	simm.s32 $0x10030;
	v1 =	vld.idx.msk [tilespmem:v3+s3+$0x0], $0xffff  }
0x99: {  	s13 =	sor.u32 s29, s28;
	[tilespmem:s14+$0x12200] =	vst v4;
	v4 =	vor.u32 $0x1B, v6;
	v3 =	vld [tilespmem:s31+$0x0]  }
0x9a: {  	s13 =	sor.u32 $0x380, s13;
	v5 =	vld.idx.msk [tilespmem:v5+s3+$0x0], $0xffff  }
0x9b: {  	[tilespmem:s13+$0x10200] =	vst v7;
	v7 =	vor.u32 $0x12, v2  }
0x9c: {  	v8 =	vld.idx.msk [tilespmem:v8+s3+$0x0], $0xffff  }
0x9d: {  	v9 =	vor.u32 $0x9, v0;
	[tilespmem:s18+$0x13300] =	vst v1  }
0x9e: {  	v1 =	vshll.u32 v3, $0x6;
	v4 =	vld.idx.msk [tilespmem:v4+s3+$0x0], $0xffff  }
0x9f: {  	[tilespmem:s14+$0x12280] =	vst v5;
	v3 =	vor.u32 $0x1C, v6  }
0xa0: {  	v5 =	vld.idx.msk [tilespmem:v7+s3+$0x0], $0xffff  }
0xa1: {  	v7 =	vor.u32 $0x13, v2;
	[tilespmem:s12+$0x11200] =	vst v8  }
0xa2: {  	v8 =	vld.idx.msk [tilespmem:v9+s3+$0x0], $0xffff  }
0xa3: {  	v10 =	vor.u32 $0xA, v0;
	v9 =	vld.idx.msk [tilespmem:v1+s3+$0x0], $0xffff;
	[tilespmem:s18+$0x13380] =	vst v4  }
0xa4: {  	v4 =	vor.u32 $0x1, v1;
	v3 =	vld.idx.msk [tilespmem:v3+s3+$0x0], $0xffff  }
0xa5: {  	s19 =	simm.s32 $0x180;
	s16 =	simm.s32 $0x30;
	[tilespmem:s14+$0x12300] =	vst v5;
	v5 =	vor.u32 $0x1D, v6  }
0xa6: {  	s17 =	sand.u32 $0xC00, s19;
	s20 =	sand.u32 $0x70, s16;
	v7 =	vld.idx.msk [tilespmem:v7+s3+$0x0], $0xffff  }
0xa7: {  	s13 =	sor.u32 s20, s17;
	[tilespmem:s12+$0x11280] =	vst v8;
	v8 =	vor.u32 $0x14, v2  }
0xa8: {  	v10 =	vld.idx.msk [tilespmem:v10+s3+$0x0], $0xffff;
	[tilespmem:s13+$0x10200] =	vst v9  }
0xa9: {  	v9 =	vor.u32 $0xB, v0;
	v4 =	vld.idx.msk [tilespmem:v4+s3+$0x0], $0xffff;
	[tilespmem:s18+$0x13400] =	vst v3  }
0xaa: {  	v3 =	vld.idx.msk [tilespmem:v5+s3+$0x0], $0xffff;
	v5 =	vor.u32 $0x2, v1  }
0xab: {  	[tilespmem:s14+$0x12380] =	vst v7;
	v7 =	vor.u32 $0x1E, v6  }
0xac: {  	v8 =	vld.idx.msk [tilespmem:v8+s3+$0x0], $0xffff  }
0xad: {  	[tilespmem:s12+$0x11300] =	vst v10;
	v10 =	vor.u32 $0x15, v2  }
0xae: {  	v9 =	vld.idx.msk [tilespmem:v9+s3+$0x0], $0xffff;
	[tilespmem:s13+$0x10280] =	vst v4  }
0xaf: {  	v4 =	vld.idx.msk [tilespmem:v5+s3+$0x0], $0xffff;
	v5 =	vor.u32 $0xC, v0;
	[tilespmem:s18+$0x13480] =	vst v3  }
0xb0: {  	v3 =	vld.idx.msk [tilespmem:v7+s3+$0x0], $0xffff;
	v7 =	vor.u32 $0x3, v1  }
0xb1: {  	[tilespmem:s14+$0x12400] =	vst v8;
	v8 =	vor.u32 $0x1F, v6  }
0xb2: {  	v10 =	vld.idx.msk [tilespmem:v10+s3+$0x0], $0xffff  }
0xb3: {  	[tilespmem:s12+$0x11380] =	vst v9;
	v9 =	vor.u32 $0x16, v2  }
0xb4: {  	v5 =	vld.idx.msk [tilespmem:v5+s3+$0x0], $0xffff;
	[tilespmem:s13+$0x10300] =	vst v4  }
0xb5: {  	v4 =	vld.idx.msk [tilespmem:v7+s3+$0x0], $0xffff;
	v7 =	vor.u32 $0xD, v0;
	[tilespmem:s18+$0x13500] =	vst v3  }
0xb6: {  	v3 =	vld.idx.msk [tilespmem:v8+s3+$0x0], $0xffff;
	v8 =	vor.u32 $0x4, v1  }
0xb7: {  	[tilespmem:s14+$0x12480] =	vst v10;
	v10 =	vor.u32 $0x20, v6  }
0xb8: {  	v9 =	vld.idx.msk [tilespmem:v9+s3+$0x0], $0xffff  }
0xb9: {  	[tilespmem:s12+$0x11400] =	vst v5;
	v5 =	vor.u32 $0x17, v2  }
0xba: {  	v7 =	vld.idx.msk [tilespmem:v7+s3+$0x0], $0xffff;
	[tilespmem:s13+$0x10380] =	vst v4  }
0xbb: {  	v4 =	vld.idx.msk [tilespmem:v8+s3+$0x0], $0xffff;
	v8 =	vor.u32 $0xE, v0;
	[tilespmem:s18+$0x13580] =	vst v3  }
0xbc: {  	v3 =	vld.idx.msk [tilespmem:v10+s3+$0x0], $0xffff;
	v10 =	vor.u32 $0x5, v1  }
0xbd: {  	[tilespmem:s14+$0x12500] =	vst v9;
	v9 =	vor.u32 $0x21, v6  }
0xbe: {  	v5 =	vld.idx.msk [tilespmem:v5+s3+$0x0], $0xffff  }
0xbf: {  	[tilespmem:s12+$0x11480] =	vst v7;
	v7 =	vor.u32 $0x18, v2  }
0xc0: {  	v8 =	vld.idx.msk [tilespmem:v8+s3+$0x0], $0xffff;
	[tilespmem:s13+$0x10400] =	vst v4  }
0xc1: {  	v4 =	vld.idx.msk [tilespmem:v10+s3+$0x0], $0xffff;
	v10 =	vor.u32 $0xF, v0;
	[tilespmem:s18+$0x14200] =	vst v3  }
0xc2: {  	v3 =	vld.idx.msk [tilespmem:v9+s3+$0x0], $0xffff;
	v9 =	vor.u32 $0x6, v1  }
0xc3: {  	[tilespmem:s14+$0x12580] =	vst v5;
	v5 =	vor.u32 $0x22, v6  }
0xc4: {  	v7 =	vld.idx.msk [tilespmem:v7+s3+$0x0], $0xffff  }
0xc5: {  	[tilespmem:s12+$0x11500] =	vst v8;
	v8 =	vor.u32 $0x19, v2  }
0xc6: {  	v10 =	vld.idx.msk [tilespmem:v10+s3+$0x0], $0xffff;
	[tilespmem:s13+$0x10480] =	vst v4  }
0xc7: {  	v4 =	vld.idx.msk [tilespmem:v9+s3+$0x0], $0xffff;
	v9 =	vor.u32 $0x10, v0;
	[tilespmem:s18+$0x14280] =	vst v3  }
0xc8: {  	v3 =	vld.idx.msk [tilespmem:v5+s3+$0x0], $0xffff;
	v5 =	vor.u32 $0x7, v1  }
0xc9: {  	[tilespmem:s14+$0x13200] =	vst v7;
	v7 =	vor.u32 $0x23, v6  }
0xca: {  	v8 =	vld.idx.msk [tilespmem:v8+s3+$0x0], $0xffff  }
0xcb: {  	[tilespmem:s12+$0x11580] =	vst v10;
	v10 =	vor.u32 $0x1A, v2  }
0xcc: {  	v9 =	vld.idx.msk [tilespmem:v9+s3+$0x0], $0xffff;
	[tilespmem:s13+$0x10500] =	vst v4  }
0xcd: {  	v4 =	vld.idx.msk [tilespmem:v5+s3+$0x0], $0xffff;
	v5 =	vor.u32 $0x11, v0;
	[tilespmem:s18+$0x14300] =	vst v3  }
0xce: {  	v3 =	vld.idx.msk [tilespmem:v7+s3+$0x0], $0xffff;
	v7 =	vor.u32 $0x8, v1  }
0xcf: {  	[tilespmem:s14+$0x13280] =	vst v8;
	v8 =	vor.u32 $0x24, v6  }
0xd0: {  	s21 =	simm.s32 $0x10040;
	s15 =	sor.u32 s19, s16;
	v10 =	vld.idx.msk [tilespmem:v10+s3+$0x0], $0xffff  }
0xd1: {  	v11 =	vld [tilespmem:s21+$0x0];
	s15 =	sor.u32 $0x380, s15;
	[tilespmem:s12+$0x12200] =	vst v9;
	v9 =	vor.u32 $0x1B, v2  }
0xd2: {  	v5 =	vld.idx.msk [tilespmem:v5+s3+$0x0], $0xffff;
	[tilespmem:s15+$0x10200] =	vst v4  }
0xd3: {  	v4 =	vld.idx.msk [tilespmem:v7+s3+$0x0], $0xffff;
	v7 =	vor.u32 $0x12, v0;
	[tilespmem:s18+$0x14380] =	vst v3  }
0xd4: {  	v12 =	vor.u32 $0x9, v1;
	v8 =	vld.idx.msk [tilespmem:v8+s3+$0x0], $0xffff  }
0xd5: {  	[tilespmem:s14+$0x13300] =	vst v10;
	v10 =	vor.u32 $0x25, v6  }
0xd6: {  	v3 =	vshll.u32 v11, $0x6;
	v9 =	vld.idx.msk [tilespmem:v9+s3+$0x0], $0xffff  }
0xd7: {  	[tilespmem:s12+$0x12280] =	vst v5;
	v5 =	vor.u32 $0x1C, v2  }
0xd8: {  	v7 =	vld.idx.msk [tilespmem:v7+s3+$0x0], $0xffff;
	[tilespmem:s13+$0x11200] =	vst v4  }
0xd9: {  	v11 =	vor.u32 $0x13, v0;
	v4 =	vld.idx.msk [tilespmem:v12+s3+$0x0], $0xffff;
	[tilespmem:s18+$0x14400] =	vst v8  }
0xda: {  	v8 =	vld.idx.msk [tilespmem:v10+s3+$0x0], $0xffff;
	v10 =	vor.u32 $0xA, v1  }
0xdb: {  	v12 =	vld.idx.msk [tilespmem:v3+s3+$0x0], $0xffff;
	[tilespmem:s14+$0x13380] =	vst v9;
	v9 =	vor.u32 $0x26, v6  }
0xdc: {  	v13 =	vor.u32 $0x1, v3;
	v5 =	vld.idx.msk [tilespmem:v5+s3+$0x0], $0xffff  }
0xdd: {  	s22 =	simm.s32 $0x40;
	s23 =	simm.s32 $0x200;
	[tilespmem:s12+$0x12300] =	vst v7;
	v7 =	vor.u32 $0x1D, v2  }
0xde: {  	s24 =	sand.u32 $0x70, s22;
	s19 =	sand.u32 $0xC00, s23;
	v11 =	vld.idx.msk [tilespmem:v11+s3+$0x0], $0xffff;
	[tilespmem:s13+$0x11280] =	vst v4  }
0xdf: {  	s15 =	sor.u32 s24, s19;
	v4 =	vld.idx.msk [tilespmem:v10+s3+$0x0], $0xffff;
	v10 =	vor.u32 $0x14, v0;
	[tilespmem:s18+$0x14480] =	vst v8  }
0xe0: {  	[tilespmem:s15+$0x10200] =	vst v12;
	v8 =	vld.idx.msk [tilespmem:v9+s3+$0x0], $0xffff;
	v9 =	vor.u32 $0xB, v1  }
0xe1: {  	v12 =	vld.idx.msk [tilespmem:v13+s3+$0x0], $0xffff;
	[tilespmem:s14+$0x13400] =	vst v5;
	v5 =	vor.u32 $0x27, v6  }
0xe2: {  	v13 =	vor.u32 $0x2, v3;
	v7 =	vld.idx.msk [tilespmem:v7+s3+$0x0], $0xffff  }
0xe3: {  	[tilespmem:s12+$0x12380] =	vst v11;
	v11 =	vor.u32 $0x1E, v2  }
0xe4: {  	v10 =	vld.idx.msk [tilespmem:v10+s3+$0x0], $0xffff;
	[tilespmem:s13+$0x11300] =	vst v4  }
0xe5: {  	v4 =	vld.idx.msk [tilespmem:v9+s3+$0x0], $0xffff;
	v9 =	vor.u32 $0x15, v0;
	[tilespmem:s18+$0x14500] =	vst v8  }
0xe6: {  	[tilespmem:s15+$0x10280] =	vst v12;
	v8 =	vor.u32 $0xC, v1;
	v5 =	vld.idx.msk [tilespmem:v5+s3+$0x0], $0xffff  }
0xe7: {  	v12 =	vld.idx.msk [tilespmem:v13+s3+$0x0], $0xffff;
	[tilespmem:s14+$0x13480] =	vst v7;
	v7 =	vor.u32 $0x28, v6  }
0xe8: {  	v13 =	vor.u32 $0x3, v3;
	v11 =	vld.idx.msk [tilespmem:v11+s3+$0x0], $0xffff  }
0xe9: {  	[tilespmem:s12+$0x12400] =	vst v10;
	v10 =	vor.u32 $0x1F, v2  }
0xea: {  	v9 =	vld.idx.msk [tilespmem:v9+s3+$0x0], $0xffff;
	[tilespmem:s13+$0x11380] =	vst v4  }
0xeb: {  	v4 =	vld.idx.msk [tilespmem:v8+s3+$0x0], $0xffff;
	v8 =	vor.u32 $0x16, v0;
	[tilespmem:s18+$0x14580] =	vst v5  }
0xec: {  	[tilespmem:s15+$0x10300] =	vst v12;
	v5 =	vld.idx.msk [tilespmem:v7+s3+$0x0], $0xffff;
	v7 =	vor.u32 $0xD, v1  }
0xed: {  	v12 =	vld.idx.msk [tilespmem:v13+s3+$0x0], $0xffff;
	[tilespmem:s14+$0x13500] =	vst v11;
	v11 =	vor.u32 $0x29, v6  }
0xee: {  	v13 =	vor.u32 $0x4, v3;
	v10 =	vld.idx.msk [tilespmem:v10+s3+$0x0], $0xffff  }
0xef: {  	[tilespmem:s12+$0x12480] =	vst v9;
	v9 =	vor.u32 $0x20, v2  }
0xf0: {  	v8 =	vld.idx.msk [tilespmem:v8+s3+$0x0], $0xffff;
	[tilespmem:s13+$0x11400] =	vst v4  }
0xf1: {  	v4 =	vld.idx.msk [tilespmem:v7+s3+$0x0], $0xffff;
	v7 =	vor.u32 $0x17, v0;
	[tilespmem:s18+$0x15200] =	vst v5  }
0xf2: {  	[tilespmem:s15+$0x10380] =	vst v12;
	v5 =	vld.idx.msk [tilespmem:v11+s3+$0x0], $0xffff;
	v11 =	vor.u32 $0xE, v1  }
0xf3: {  	v12 =	vld.idx.msk [tilespmem:v13+s3+$0x0], $0xffff;
	[tilespmem:s14+$0x13580] =	vst v10;
	v10 =	vor.u32 $0x2A, v6  }
0xf4: {  	v13 =	vor.u32 $0x5, v3;
	v9 =	vld.idx.msk [tilespmem:v9+s3+$0x0], $0xffff  }
0xf5: {  	[tilespmem:s12+$0x12500] =	vst v8;
	v8 =	vor.u32 $0x21, v2  }
0xf6: {  	v7 =	vld.idx.msk [tilespmem:v7+s3+$0x0], $0xffff;
	[tilespmem:s13+$0x11480] =	vst v4  }
0xf7: {  	v4 =	vld.idx.msk [tilespmem:v11+s3+$0x0], $0xffff;
	v11 =	vor.u32 $0x18, v0;
	[tilespmem:s18+$0x15280] =	vst v5  }
0xf8: {  	[tilespmem:s15+$0x10400] =	vst v12;
	v5 =	vld.idx.msk [tilespmem:v10+s3+$0x0], $0xffff;
	v10 =	vor.u32 $0xF, v1  }
0xf9: {  	v12 =	vld.idx.msk [tilespmem:v13+s3+$0x0], $0xffff;
	[tilespmem:s14+$0x14200] =	vst v9;
	v9 =	vor.u32 $0x2B, v6  }
0xfa: {  	v13 =	vor.u32 $0x6, v3;
	v8 =	vld.idx.msk [tilespmem:v8+s3+$0x0], $0xffff  }
0xfb: {  	[tilespmem:s12+$0x12580] =	vst v7;
	v7 =	vor.u32 $0x22, v2  }
0xfc: {  	v11 =	vld.idx.msk [tilespmem:v11+s3+$0x0], $0xffff;
	[tilespmem:s13+$0x11500] =	vst v4  }
0xfd: {  	v4 =	vld.idx.msk [tilespmem:v10+s3+$0x0], $0xffff;
	v10 =	vor.u32 $0x19, v0;
	[tilespmem:s18+$0x15300] =	vst v5  }
0xfe: {  	[tilespmem:s15+$0x10480] =	vst v12;
	v5 =	vld.idx.msk [tilespmem:v9+s3+$0x0], $0xffff;
	v9 =	vor.u32 $0x10, v1  }
0xff: {  	v12 =	vld.idx.msk [tilespmem:v13+s3+$0x0], $0xffff;
	[tilespmem:s14+$0x14280] =	vst v8;
	v8 =	vor.u32 $0x2C, v6  }
0x100: {  	v13 =	vor.u32 $0x7, v3;
	v7 =	vld.idx.msk [tilespmem:v7+s3+$0x0], $0xffff  }
0x101: {  	[tilespmem:s12+$0x13200] =	vst v11;
	v11 =	vor.u32 $0x23, v2  }
0x102: {  	v10 =	vld.idx.msk [tilespmem:v10+s3+$0x0], $0xffff;
	[tilespmem:s13+$0x11580] =	vst v4  }
0x103: {  	v4 =	vld.idx.msk [tilespmem:v9+s3+$0x0], $0xffff;
	v9 =	vor.u32 $0x1A, v0;
	[tilespmem:s18+$0x15380] =	vst v5  }
0x104: {  	[tilespmem:s15+$0x10500] =	vst v12;
	v5 =	vld.idx.msk [tilespmem:v8+s3+$0x0], $0xffff;
	v8 =	vor.u32 $0x11, v1  }
0x105: {  	v12 =	vld.idx.msk [tilespmem:v13+s3+$0x0], $0xffff;
	[tilespmem:s14+$0x14300] =	vst v7;
	v7 =	vor.u32 $0x2D, v6  }
0x106: {  	s25 =	simm.s32 $0x10050;
	v13 =	vor.u32 $0x8, v3;
	v11 =	vld.idx.msk [tilespmem:v11+s3+$0x0], $0xffff  }
0x107: {  	v14 =	vld [tilespmem:s25+$0x0];
	[tilespmem:s12+$0x13280] =	vst v10;
	v10 =	vor.u32 $0x24, v2  }
0x108: {  	s16 =	sor.u32 s23, s22;
	v9 =	vld.idx.msk [tilespmem:v9+s3+$0x0], $0xffff;
	[tilespmem:s13+$0x12200] =	vst v4  }
0x109: {  	s16 =	sor.u32 $0x380, s16;
	v4 =	vor.u32 $0x1B, v0;
	v8 =	vld.idx.msk [tilespmem:v8+s3+$0x0], $0xffff;
	[tilespmem:s18+$0x15400] =	vst v5  }
0x10a: {  	[tilespmem:s16+$0x10200] =	vst v12;
	v12 =	vor.u32 $0x12, v1;
	v7 =	vld.idx.msk [tilespmem:v7+s3+$0x0], $0xffff  }
0x10b: {  	v13 =	vld.idx.msk [tilespmem:v13+s3+$0x0], $0xffff;
	[tilespmem:s14+$0x14380] =	vst v11;
	v11 =	vor.u32 $0x2E, v6  }
0x10c: {  	s26 =	simm.s32 $0x10060;
	v15 =	vor.u32 $0x9, v3;
	v10 =	vld.idx.msk [tilespmem:v10+s3+$0x0], $0xffff  }
0x10d: {  	v5 =	vld [tilespmem:s26+$0x0];
	[tilespmem:s12+$0x13300] =	vst v9;
	v9 =	vor.u32 $0x25, v2  }
0x10e: {  	v16 =	vld.idx.msk [tilespmem:v4+s3+$0x0], $0xffff;
	v4 =	vshll.u32 v14, $0x6;
	[tilespmem:s13+$0x12280] =	vst v8  }
0x10f: {  	v8 =	vld.idx.msk [tilespmem:v12+s3+$0x0], $0xffff;
	v12 =	vor.u32 $0x1C, v0;
	[tilespmem:s18+$0x15480] =	vst v7  }
0x110: {  	[tilespmem:s15+$0x11200] =	vst v13;
	v7 =	vld.idx.msk [tilespmem:v11+s3+$0x0], $0xffff;
	v11 =	vor.u32 $0x13, v1  }
0x111: {  	v13 =	vld.idx.msk [tilespmem:v15+s3+$0x0], $0xffff;
	[tilespmem:s14+$0x14400] =	vst v10;
	v10 =	vor.u32 $0x2F, v6  }
0x112: {  	v14 =	vor.u32 $0xA, v3;
	v9 =	vld.idx.msk [tilespmem:v9+s3+$0x0], $0xffff  }
0x113: {  	v15 =	vld.idx.msk [tilespmem:v4+s3+$0x0], $0xffff;
	[tilespmem:s12+$0x13380] =	vst v16;
	v16 =	vor.u32 $0x26, v2  }
0x114: {  	v17 =	vor.u32 $0x1, v4;
	v12 =	vld.idx.msk [tilespmem:v12+s3+$0x0], $0xffff;
	[tilespmem:s13+$0x12300] =	vst v8  }
0x115: {  	s28 =	simm.s32 $0x50;
	s29 =	simm.s32 $0x280;
	v8 =	vld.idx.msk [tilespmem:v11+s3+$0x0], $0xffff;
	v11 =	vor.u32 $0x1D, v0;
	[tilespmem:s18+$0x15500] =	vst v7  }
0x116: {  	s30 =	sand.u32 $0x70, s28;
	s20 =	sand.u32 $0xC00, s29;
	[tilespmem:s15+$0x11280] =	vst v13;
	v7 =	vld.idx.msk [tilespmem:v10+s3+$0x0], $0xffff;
	v10 =	vor.u32 $0x14, v1  }
0x117: {  	s16 =	sor.u32 s30, s20;
	v13 =	vld.idx.msk [tilespmem:v14+s3+$0x0], $0xffff;
	[tilespmem:s14+$0x14480] =	vst v9;
	v9 =	vor.u32 $0x30, v6  }
0x118: {  	[tilespmem:s16+$0x10200] =	vst v15;
	v14 =	vld.idx.msk [tilespmem:v16+s3+$0x0], $0xffff;
	v15 =	vor.u32 $0xB, v3  }
0x119: {  	v16 =	vld.idx.msk [tilespmem:v17+s3+$0x0], $0xffff;
	[tilespmem:s12+$0x13400] =	vst v12;
	v12 =	vor.u32 $0x27, v2  }
0x11a: {  	v17 =	vor.u32 $0x2, v4;
	v11 =	vld.idx.msk [tilespmem:v11+s3+$0x0], $0xffff;
	[tilespmem:s13+$0x12380] =	vst v8  }
0x11b: {  	v8 =	vld.idx.msk [tilespmem:v10+s3+$0x0], $0xffff;
	v10 =	vor.u32 $0x1E, v0;
	[tilespmem:s18+$0x15580] =	vst v7  }
0x11c: {  	[tilespmem:s15+$0x11300] =	vst v13;
	v7 =	vld.idx.msk [tilespmem:v9+s3+$0x0], $0xffff;
	v9 =	vor.u32 $0x15, v1  }
0x11d: {  	v13 =	vld.idx.msk [tilespmem:v15+s3+$0x0], $0xffff;
	[tilespmem:s14+$0x14500] =	vst v14;
	v14 =	vor.u32 $0x31, v6  }
0x11e: {  	v15 =	vor.u32 $0xC, v3;
	[tilespmem:s16+$0x10280] =	vst v16;
	v12 =	vld.idx.msk [tilespmem:v12+s3+$0x0], $0xffff  }
0x11f: {  	v16 =	vld.idx.msk [tilespmem:v17+s3+$0x0], $0xffff;
	[tilespmem:s12+$0x13480] =	vst v11;
	v11 =	vor.u32 $0x28, v2  }
0x120: {  	v17 =	vor.u32 $0x3, v4;
	v10 =	vld.idx.msk [tilespmem:v10+s3+$0x0], $0xffff;
	[tilespmem:s13+$0x12400] =	vst v8  }
0x121: {  	v8 =	vld.idx.msk [tilespmem:v9+s3+$0x0], $0xffff;
	v9 =	vor.u32 $0x1F, v0;
	[tilespmem:s18+$0x16200] =	vst v7  }
0x122: {  	[tilespmem:s15+$0x11380] =	vst v13;
	v7 =	vld.idx.msk [tilespmem:v14+s3+$0x0], $0xffff;
	v13 =	vor.u32 $0x16, v1  }
0x123: {  	v14 =	vld.idx.msk [tilespmem:v15+s3+$0x0], $0xffff;
	[tilespmem:s14+$0x14580] =	vst v12;
	v12 =	vor.u32 $0x32, v6  }
0x124: {  	v15 =	vor.u32 $0xD, v3;
	[tilespmem:s16+$0x10300] =	vst v16;
	v11 =	vld.idx.msk [tilespmem:v11+s3+$0x0], $0xffff  }
0x125: {  	v16 =	vld.idx.msk [tilespmem:v17+s3+$0x0], $0xffff;
	[tilespmem:s12+$0x13500] =	vst v10;
	v10 =	vor.u32 $0x29, v2  }
0x126: {  	v17 =	vor.u32 $0x4, v4;
	v9 =	vld.idx.msk [tilespmem:v9+s3+$0x0], $0xffff;
	[tilespmem:s13+$0x12480] =	vst v8  }
0x127: {  	v8 =	vld.idx.msk [tilespmem:v13+s3+$0x0], $0xffff;
	v13 =	vor.u32 $0x20, v0;
	[tilespmem:s18+$0x16280] =	vst v7  }
0x128: {  	[tilespmem:s15+$0x11400] =	vst v14;
	v7 =	vld.idx.msk [tilespmem:v12+s3+$0x0], $0xffff;
	v12 =	vor.u32 $0x17, v1  }
0x129: {  	v14 =	vld.idx.msk [tilespmem:v15+s3+$0x0], $0xffff;
	[tilespmem:s14+$0x15200] =	vst v11;
	v11 =	vor.u32 $0x33, v6  }
0x12a: {  	v15 =	vor.u32 $0xE, v3;
	[tilespmem:s16+$0x10380] =	vst v16;
	v10 =	vld.idx.msk [tilespmem:v10+s3+$0x0], $0xffff  }
0x12b: {  	v16 =	vld.idx.msk [tilespmem:v17+s3+$0x0], $0xffff;
	[tilespmem:s12+$0x13580] =	vst v9;
	v9 =	vor.u32 $0x2A, v2  }
0x12c: {  	v17 =	vor.u32 $0x5, v4;
	v13 =	vld.idx.msk [tilespmem:v13+s3+$0x0], $0xffff;
	[tilespmem:s13+$0x12500] =	vst v8  }
0x12d: {  	v8 =	vld.idx.msk [tilespmem:v12+s3+$0x0], $0xffff;
	v12 =	vor.u32 $0x21, v0;
	[tilespmem:s18+$0x16300] =	vst v7  }
0x12e: {  	[tilespmem:s15+$0x11480] =	vst v14;
	v7 =	vld.idx.msk [tilespmem:v11+s3+$0x0], $0xffff;
	v11 =	vor.u32 $0x18, v1  }
0x12f: {  	v14 =	vld.idx.msk [tilespmem:v15+s3+$0x0], $0xffff;
	[tilespmem:s14+$0x15280] =	vst v10;
	v10 =	vor.u32 $0x34, v6  }
0x130: {  	v15 =	vor.u32 $0xF, v3;
	[tilespmem:s16+$0x10400] =	vst v16;
	v9 =	vld.idx.msk [tilespmem:v9+s3+$0x0], $0xffff  }
0x131: {  	v16 =	vld.idx.msk [tilespmem:v17+s3+$0x0], $0xffff;
	[tilespmem:s12+$0x14200] =	vst v13;
	v13 =	vor.u32 $0x2B, v2  }
0x132: {  	v17 =	vor.u32 $0x6, v4;
	v12 =	vld.idx.msk [tilespmem:v12+s3+$0x0], $0xffff;
	[tilespmem:s13+$0x12580] =	vst v8  }
0x133: {  	v8 =	vld.idx.msk [tilespmem:v11+s3+$0x0], $0xffff;
	v11 =	vor.u32 $0x22, v0;
	[tilespmem:s18+$0x16380] =	vst v7  }
0x134: {  	[tilespmem:s15+$0x11500] =	vst v14;
	v7 =	vld.idx.msk [tilespmem:v10+s3+$0x0], $0xffff;
	v10 =	vor.u32 $0x19, v1  }
0x135: {  	v14 =	vld.idx.msk [tilespmem:v15+s3+$0x0], $0xffff;
	[tilespmem:s14+$0x15300] =	vst v9;
	v9 =	vor.u32 $0x35, v6  }
0x136: {  	v15 =	vor.u32 $0x10, v3;
	[tilespmem:s16+$0x10480] =	vst v16;
	v13 =	vld.idx.msk [tilespmem:v13+s3+$0x0], $0xffff  }
0x137: {  	v16 =	vld.idx.msk [tilespmem:v17+s3+$0x0], $0xffff;
	[tilespmem:s12+$0x14280] =	vst v12;
	v12 =	vor.u32 $0x2C, v2  }
0x138: {  	v17 =	vor.u32 $0x7, v4;
	v11 =	vld.idx.msk [tilespmem:v11+s3+$0x0], $0xffff;
	[tilespmem:s13+$0x13200] =	vst v8  }
0x139: {  	v8 =	vld.idx.msk [tilespmem:v10+s3+$0x0], $0xffff;
	v10 =	vor.u32 $0x23, v0;
	[tilespmem:s18+$0x16400] =	vst v7  }
0x13a: {  	[tilespmem:s15+$0x11580] =	vst v14;
	v7 =	vld.idx.msk [tilespmem:v9+s3+$0x0], $0xffff;
	v9 =	vor.u32 $0x1A, v1  }
0x13b: {  	v14 =	vld.idx.msk [tilespmem:v15+s3+$0x0], $0xffff;
	[tilespmem:s14+$0x15380] =	vst v13;
	v13 =	vor.u32 $0x36, v6  }
0x13c: {  	v15 =	vor.u32 $0x11, v3;
	[tilespmem:s16+$0x10500] =	vst v16;
	v12 =	vld.idx.msk [tilespmem:v12+s3+$0x0], $0xffff  }
0x13d: {  	v16 =	vld.idx.msk [tilespmem:v17+s3+$0x0], $0xffff;
	[tilespmem:s12+$0x14300] =	vst v11;
	v11 =	vor.u32 $0x2D, v2  }
0x13e: {  	v17 =	vor.u32 $0x8, v4;
	v10 =	vld.idx.msk [tilespmem:v10+s3+$0x0], $0xffff;
	[tilespmem:s13+$0x13280] =	vst v8  }
0x13f: {  	v8 =	vld.idx.msk [tilespmem:v9+s3+$0x0], $0xffff;
	[tilespmem:s18+$0x16480] =	vst v7  }
0x140: {  	s17 =	sor.u32 s29, s28;
	v9 =	vor.u32 $0x24, v0;
	[tilespmem:s15+$0x12200] =	vst v14;
	v13 =	vld.idx.msk [tilespmem:v13+s3+$0x0], $0xffff  }
0x141: {  	s17 =	sor.u32 $0x380, s17;
	v14 =	vld.idx.msk [tilespmem:v15+s3+$0x0], $0xffff;
	v15 =	vor.u32 $0x1B, v1;
	[tilespmem:s14+$0x15400] =	vst v12  }
0x142: {  	v12 =	vor.u32 $0x37, v6;
	[tilespmem:s17+$0x10200] =	vst v16;
	v11 =	vld.idx.msk [tilespmem:v11+s3+$0x0], $0xffff  }
0x143: {  	s20 =	simm.s32 $0x10070;
	v16 =	vld.idx.msk [tilespmem:v17+s3+$0x0], $0xffff;
	v17 =	vor.u32 $0x12, v3  }
0x144: {  	v7 =	vld [tilespmem:s20+$0x0];
	[tilespmem:s12+$0x14380] =	vst v10;
	v10 =	vor.u32 $0x2E, v2  }
0x145: {  	v18 =	vor.u32 $0x9, v4;
	v9 =	vld.idx.msk [tilespmem:v9+s3+$0x0], $0xffff;
	[tilespmem:s13+$0x13300] =	vst v8  }
0x146: {  	[tilespmem:s18+$0x16500] =	vst v13;
	v8 =	vld.idx.msk [tilespmem:v15+s3+$0x0], $0xffff;
	v15 =	vor.u32 $0x25, v0  }
0x147: {  	v5 =	vshll.u32 v5, $0x6;
	[tilespmem:s15+$0x12280] =	vst v14;
	v12 =	vld.idx.msk [tilespmem:v12+s3+$0x0], $0xffff  }
0x148: {  	v14 =	vor.u32 $0x1C, v1;
	[tilespmem:s14+$0x15480] =	vst v11;
	v13 =	vld.idx.msk [tilespmem:v17+s3+$0x0], $0xffff  }
0x149: {  	v11 =	vor.u32 $0x38, v6;
	[tilespmem:s16+$0x11200] =	vst v16;
	v10 =	vld.idx.msk [tilespmem:v10+s3+$0x0], $0xffff  }
0x14a: {  	v17 =	vor.u32 $0x13, v3;
	v16 =	vld.idx.msk [tilespmem:v18+s3+$0x0], $0xffff;
	[tilespmem:s12+$0x14400] =	vst v9  }
0x14b: {  	v9 =	vld.idx.msk [tilespmem:v15+s3+$0x0], $0xffff;
	v15 =	vor.u32 $0x2F, v2  }
0x14c: {  	v19 =	vor.u32 $0xA, v4;
	v18 =	vld.idx.msk [tilespmem:v5+s3+$0x0], $0xffff;
	[tilespmem:s13+$0x13380] =	vst v8  }
0x14d: {  	[tilespmem:s18+$0x16580] =	vst v12;
	v8 =	vld.idx.msk [tilespmem:v14+s3+$0x0], $0xffff;
	v14 =	vor.u32 $0x26, v0  }
0x14e: {  	v12 =	vor.u32 $0x1, v5;
	v11 =	vld.idx.msk [tilespmem:v11+s3+$0x0], $0xffff;
	[tilespmem:s15+$0x12300] =	vst v13  }
0x14f: {  	s21 =	simm.s32 $0x60;
	s19 =	simm.s32 $0x300;
	[tilespmem:s14+$0x15500] =	vst v10;
	v13 =	vld.idx.msk [tilespmem:v17+s3+$0x0], $0xffff;
	v17 =	vor.u32 $0x1D, v1  }
0x150: {  	s31 =	sand.u32 $0x70, s21;
	s22 =	sand.u32 $0xC00, s19;
	[tilespmem:s16+$0x11280] =	vst v16;
	v10 =	vld.idx.msk [tilespmem:v15+s3+$0x0], $0xffff;
	v15 =	vor.u32 $0x39, v6  }
0x151: {  	s17 =	sor.u32 s31, s22;
	v16 =	vld.idx.msk [tilespmem:v19+s3+$0x0], $0xffff;
	v19 =	vor.u32 $0x14, v3;
	[tilespmem:s12+$0x14480] =	vst v9  }
0x152: {  	[tilespmem:s17+$0x10200] =	vst v18;
	v9 =	vld.idx.msk [tilespmem:v14+s3+$0x0], $0xffff;
	v14 =	vor.u32 $0x30, v2  }
0x153: {  	v18 =	vor.u32 $0xB, v4;
	v12 =	vld.idx.msk [tilespmem:v12+s3+$0x0], $0xffff;
	[tilespmem:s13+$0x13400] =	vst v8  }
0x154: {  	[tilespmem:s18+$0x17200] =	vst v11;
	v11 =	vor.u32 $0x2, v5;
	v8 =	vld.idx.msk [tilespmem:v17+s3+$0x0], $0xffff  }
0x155: {  	v17 =	vor.u32 $0x27, v0;
	[tilespmem:s15+$0x12380] =	vst v13;
	v13 =	vld.idx.msk [tilespmem:v15+s3+$0x0], $0xffff  }
0x156: {  	v15 =	vld.idx.msk [tilespmem:v19+s3+$0x0], $0xffff;
	v19 =	vor.u32 $0x1E, v1;
	[tilespmem:s14+$0x15580] =	vst v10  }
0x157: {  	[tilespmem:s16+$0x11300] =	vst v16;
	v10 =	vld.idx.msk [tilespmem:v14+s3+$0x0], $0xffff;
	v14 =	vor.u32 $0x3A, v6  }
0x158: {  	v16 =	vld.idx.msk [tilespmem:v18+s3+$0x0], $0xffff;
	v18 =	vor.u32 $0x15, v3;
	[tilespmem:s17+$0x10280] =	vst v12  }
0x159: {  	v12 =	vor.u32 $0x31, v2;
	[tilespmem:s12+$0x14500] =	vst v9;
	v11 =	vld.idx.msk [tilespmem:v11+s3+$0x0], $0xffff  }
0x15a: {  	v9 =	vld.idx.msk [tilespmem:v17+s3+$0x0], $0xffff;
	v17 =	vor.u32 $0xC, v4;
	[tilespmem:s13+$0x13480] =	vst v8  }
0x15b: {  	v8 =	vld.idx.msk [tilespmem:v19+s3+$0x0], $0xffff;
	v19 =	vor.u32 $0x28, v0;
	[tilespmem:s18+$0x17280] =	vst v13  }
0x15c: {  	v13 =	vor.u32 $0x3, v5;
	[tilespmem:s15+$0x12400] =	vst v15;
	v14 =	vld.idx.msk [tilespmem:v14+s3+$0x0], $0xffff  }
0x15d: {  	v15 =	vld.idx.msk [tilespmem:v18+s3+$0x0], $0xffff;
	v18 =	vor.u32 $0x1F, v1;
	[tilespmem:s14+$0x16200] =	vst v10  }
0x15e: {  	[tilespmem:s16+$0x11380] =	vst v16;
	v10 =	vld.idx.msk [tilespmem:v12+s3+$0x0], $0xffff;
	v12 =	vor.u32 $0x3B, v6  }
0x15f: {  	v16 =	vld.idx.msk [tilespmem:v17+s3+$0x0], $0xffff;
	v17 =	vor.u32 $0x16, v3;
	[tilespmem:s12+$0x14580] =	vst v9  }
0x160: {  	[tilespmem:s17+$0x10300] =	vst v11;
	v11 =	vor.u32 $0x32, v2;
	v9 =	vld.idx.msk [tilespmem:v19+s3+$0x0], $0xffff  }
0x161: {  	v13 =	vld.idx.msk [tilespmem:v13+s3+$0x0], $0xffff;
	v19 =	vor.u32 $0xD, v4;
	[tilespmem:s13+$0x13500] =	vst v8  }
0x162: {  	v8 =	vld.idx.msk [tilespmem:v18+s3+$0x0], $0xffff;
	v18 =	vor.u32 $0x29, v0;
	[tilespmem:s18+$0x17300] =	vst v14  }
0x163: {  	v14 =	vor.u32 $0x4, v5;
	[tilespmem:s15+$0x12480] =	vst v15;
	v12 =	vld.idx.msk [tilespmem:v12+s3+$0x0], $0xffff  }
0x164: {  	[tilespmem:s14+$0x16280] =	vst v10;
	v15 =	vld.idx.msk [tilespmem:v17+s3+$0x0], $0xffff;
	v17 =	vor.u32 $0x20, v1  }
0x165: {  	[tilespmem:s16+$0x11400] =	vst v16;
	v10 =	vld.idx.msk [tilespmem:v11+s3+$0x0], $0xffff;
	v11 =	vor.u32 $0x3C, v6  }
0x166: {  	v16 =	vld.idx.msk [tilespmem:v19+s3+$0x0], $0xffff;
	v19 =	vor.u32 $0x17, v3;
	[tilespmem:s12+$0x15200] =	vst v9  }
0x167: {  	[tilespmem:s17+$0x10380] =	vst v13;
	v13 =	vor.u32 $0x33, v2;
	v9 =	vld.idx.msk [tilespmem:v18+s3+$0x0], $0xffff  }
0x168: {  	v14 =	vld.idx.msk [tilespmem:v14+s3+$0x0], $0xffff;
	v18 =	vor.u32 $0xE, v4;
	[tilespmem:s13+$0x13580] =	vst v8  }
0x169: {  	[tilespmem:s18+$0x17380] =	vst v12;
	v12 =	vor.u32 $0x5, v5;
	v8 =	vld.idx.msk [tilespmem:v17+s3+$0x0], $0xffff  }
0x16a: {  	v17 =	vor.u32 $0x2A, v0;
	[tilespmem:s15+$0x12500] =	vst v15;
	v11 =	vld.idx.msk [tilespmem:v11+s3+$0x0], $0xffff  }
0x16b: {  	[tilespmem:s14+$0x16300] =	vst v10;
	v15 =	vld.idx.msk [tilespmem:v19+s3+$0x0], $0xffff;
	v19 =	vor.u32 $0x21, v1  }
0x16c: {  	[tilespmem:s16+$0x11480] =	vst v16;
	v10 =	vld.idx.msk [tilespmem:v13+s3+$0x0], $0xffff;
	v13 =	vor.u32 $0x3D, v6  }
0x16d: {  	v16 =	vld.idx.msk [tilespmem:v18+s3+$0x0], $0xffff;
	v18 =	vor.u32 $0x18, v3;
	[tilespmem:s17+$0x10400] =	vst v14  }
0x16e: {  	[tilespmem:s12+$0x15280] =	vst v9;
	v14 =	vor.u32 $0x34, v2;
	v12 =	vld.idx.msk [tilespmem:v12+s3+$0x0], $0xffff  }
0x16f: {  	v9 =	vld.idx.msk [tilespmem:v17+s3+$0x0], $0xffff;
	v17 =	vor.u32 $0xF, v4;
	[tilespmem:s13+$0x14200] =	vst v8  }
0x170: {  	[tilespmem:s18+$0x17400] =	vst v11;
	v11 =	vor.u32 $0x6, v5;
	v8 =	vld.idx.msk [tilespmem:v19+s3+$0x0], $0xffff  }
0x171: {  	v19 =	vor.u32 $0x2B, v0;
	[tilespmem:s15+$0x12580] =	vst v15;
	v13 =	vld.idx.msk [tilespmem:v13+s3+$0x0], $0xffff  }
0x172: {  	[tilespmem:s14+$0x16380] =	vst v10;
	v15 =	vld.idx.msk [tilespmem:v18+s3+$0x0], $0xffff;
	v18 =	vor.u32 $0x22, v1  }
0x173: {  	[tilespmem:s16+$0x11500] =	vst v16;
	v10 =	vld.idx.msk [tilespmem:v14+s3+$0x0], $0xffff;
	v14 =	vor.u32 $0x3E, v6  }
0x174: {  	[tilespmem:s17+$0x10480] =	vst v12;
	v16 =	vld.idx.msk [tilespmem:v17+s3+$0x0], $0xffff;
	v17 =	vor.u32 $0x19, v3  }
0x175: {  	v12 =	vor.u32 $0x35, v2;
	[tilespmem:s12+$0x15300] =	vst v9;
	v11 =	vld.idx.msk [tilespmem:v11+s3+$0x0], $0xffff  }
0x176: {  	v9 =	vld.idx.msk [tilespmem:v19+s3+$0x0], $0xffff;
	v19 =	vor.u32 $0x10, v4;
	[tilespmem:s13+$0x14280] =	vst v8  }
0x177: {  	[tilespmem:s18+$0x17480] =	vst v13;
	v13 =	vor.u32 $0x7, v5;
	v8 =	vld.idx.msk [tilespmem:v18+s3+$0x0], $0xffff  }
0x178: {  	v18 =	vor.u32 $0x2C, v0;
	[tilespmem:s15+$0x13200] =	vst v15;
	v14 =	vld.idx.msk [tilespmem:v14+s3+$0x0], $0xffff  }
0x179: {  	[tilespmem:s14+$0x16400] =	vst v10;
	v15 =	vld.idx.msk [tilespmem:v17+s3+$0x0], $0xffff;
	v17 =	vor.u32 $0x23, v1  }
0x17a: {  	v6 =	vor.u32 $0x3F, v6;
	[tilespmem:s16+$0x11580] =	vst v16;
	v16 =	vld.idx.msk [tilespmem:v12+s3+$0x0], $0xffff  }
0x17b: {  	v20 =	vor.u32 $0x1A, v3;
	[tilespmem:s17+$0x10500] =	vst v11;
	v19 =	vld.idx.msk [tilespmem:v19+s3+$0x0], $0xffff  }
0x17c: {  	[tilespmem:s12+$0x15380] =	vst v9;
	v9 =	vor.u32 $0x36, v2;
	v13 =	vld.idx.msk [tilespmem:v13+s3+$0x0], $0xffff  }
0x17d: {  	v11 =	vld.idx.msk [tilespmem:v18+s3+$0x0], $0xffff;
	v18 =	vor.u32 $0x11, v4;
	[tilespmem:s13+$0x14300] =	vst v8  }
0x17e: {  	[tilespmem:s18+$0x17500] =	vst v14;
	v10 =	vld.idx.msk [tilespmem:v17+s3+$0x0], $0xffff;
	v17 =	vor.u32 $0x2D, v0  }
0x17f: {  	v12 =	vld.idx.msk [tilespmem:v6+s3+$0x0], $0xffff;
	[tilespmem:s15+$0x13280] =	vst v15;
	v15 =	vor.u32 $0x8, v5  }
0x180: {  	[tilespmem:s14+$0x16480] =	vst v16;
	v16 =	vor.u32 $0x24, v1;
	v6 =	vld.idx.msk [tilespmem:v20+s3+$0x0], $0xffff  }
0x181: {  	s21 =	sor.u32 s19, s21;
	[tilespmem:s16+$0x12200] =	vst v19;
	v8 =	vld.idx.msk [tilespmem:v9+s3+$0x0], $0xffff  }
0x182: {  	s23 =	sor.u32 $0x380, s21;
	v14 =	vor.u32 $0x1B, v3;
	v9 =	vld.idx.msk [tilespmem:v18+s3+$0x0], $0xffff;
	[tilespmem:s12+$0x15400] =	vst v11  }
0x183: {  	s21 =	simm.s32 $0x70;
	s22 =	simm.s32 $0x80;
	[tilespmem:s23+$0x10200] =	vst v13;
	v13 =	vor.u32 $0x37, v2;
	v11 =	vld.idx.msk [tilespmem:v17+s3+$0x0], $0xffff  }
.LBB2_2:
0x184: {  	p0 =	sne.s32 s22, $0x1F0;
	v15 =	vld.idx.msk [tilespmem:v15+s3+$0x0], $0xffff;
	v17 =	vor.u32 $0x12, v4;
	[tilespmem:s13+$0x14380] =	vst v10  }
0x185: {  	s20 =	sadd.s32 $0x10, s20;
	v10 =	vld.idx.msk [tilespmem:v16+s3+$0x0], $0xffff;
	v16 =	vor.u32 $0x2E, v0;
	[tilespmem:s18+$0x17580] =	vst v12;
	s18 =	smov.u32 s14;
	s14 =	smov.u32 s12  }
0x186: {  	v18 =	vor.u32 $0x9, v5;
	s12 =	smov.u32 s13;
	s13 =	smov.u32 s15;
	v12 =	vld [tilespmem:s20+$0x0];
	[tilespmem:s15+$0x13300] =	vst v6;
	s15 =	smov.u32 s16  }
0x187: {  	v19 =	vor.u32 $0x25, v1;
	s16 =	smov.u32 s17;
	v14 =	vld.idx.msk [tilespmem:v14+s3+$0x0], $0xffff;
	[tilespmem:s18+$0x16500] =	vst v8  }
0x188: {  	v6 =	vshll.u32 v7, $0x6;
	[tilespmem:s15+$0x12280] =	vst v9;
	v8 =	vld.idx.msk [tilespmem:v13+s3+$0x0], $0xffff  }
0x189: {  	v13 =	vor.u32 $0x1C, v3;
	v9 =	vld.idx.msk [tilespmem:v17+s3+$0x0], $0xffff;
	[tilespmem:s14+$0x15480] =	vst v11  }
0x18a: {  	[tilespmem:s16+$0x11200] =	vst v15;
	v11 =	vld.idx.msk [tilespmem:v16+s3+$0x0], $0xffff;
	v15 =	vor.u32 $0x38, v2  }
0x18b: {  	v17 =	vor.u32 $0x13, v4;
	v16 =	vld.idx.msk [tilespmem:v18+s3+$0x0], $0xffff;
	[tilespmem:s12+$0x14400] =	vst v10;
	v7 =	vmov v12  }
0x18c: {  	v12 =	vor.u32 $0x2F, v0;
	v10 =	vld.idx.msk [tilespmem:v19+s3+$0x0], $0xffff  }
0x18d: {  	v19 =	vor.u32 $0xA, v5;
	v18 =	vld.idx.msk [tilespmem:v6+s3+$0x0], $0xffff;
	[tilespmem:s13+$0x13380] =	vst v14  }
0x18e: {  	v14 =	vor.u32 $0x26, v1;
	v13 =	vld.idx.msk [tilespmem:v13+s3+$0x0], $0xffff;
	[tilespmem:s18+$0x16580] =	vst v8  }
0x18f: {  	v8 =	vor.u32 $0x1, v6;
	[tilespmem:s15+$0x12300] =	vst v9;
	v9 =	vld.idx.msk [tilespmem:v15+s3+$0x0], $0xffff  }
0x190: {  	s19 =	sadd.s32 $0x80, s19;
	v15 =	vld.idx.msk [tilespmem:v17+s3+$0x0], $0xffff;
	v17 =	vor.u32 $0x1D, v3;
	[tilespmem:s14+$0x15500] =	vst v11  }
0x191: {  	s23 =	sand.u32 $0xC00, s19;
	s17 =	sand.u32 $0x70, s21;
	[tilespmem:s16+$0x11280] =	vst v16;
	v11 =	vld.idx.msk [tilespmem:v12+s3+$0x0], $0xffff;
	v12 =	vor.u32 $0x39, v2  }
0x192: {  	s17 =	sor.u32 s17, s23;
	v16 =	vld.idx.msk [tilespmem:v19+s3+$0x0], $0xffff;
	v19 =	vor.u32 $0x14, v4;
	[tilespmem:s12+$0x14480] =	vst v10  }
0x193: {  	[tilespmem:s17+$0x10200] =	vst v18;
	v10 =	vld.idx.msk [tilespmem:v14+s3+$0x0], $0xffff;
	v14 =	vor.u32 $0x30, v0  }
0x194: {  	v18 =	vor.u32 $0xB, v5;
	v8 =	vld.idx.msk [tilespmem:v8+s3+$0x0], $0xffff;
	[tilespmem:s13+$0x13400] =	vst v13  }
0x195: {  	v13 =	vld.idx.msk [tilespmem:v17+s3+$0x0], $0xffff;
	v17 =	vor.u32 $0x27, v1;
	[tilespmem:s18+$0x17200] =	vst v9  }
0x196: {  	v9 =	vor.u32 $0x2, v6;
	[tilespmem:s15+$0x12380] =	vst v15;
	v12 =	vld.idx.msk [tilespmem:v12+s3+$0x0], $0xffff  }
0x197: {  	v15 =	vld.idx.msk [tilespmem:v19+s3+$0x0], $0xffff;
	v19 =	vor.u32 $0x1E, v3;
	[tilespmem:s14+$0x15580] =	vst v11  }
0x198: {  	[tilespmem:s16+$0x11300] =	vst v16;
	v11 =	vld.idx.msk [tilespmem:v14+s3+$0x0], $0xffff;
	v14 =	vor.u32 $0x3A, v2  }
0x199: {  	v16 =	vld.idx.msk [tilespmem:v18+s3+$0x0], $0xffff;
	v18 =	vor.u32 $0x15, v4;
	[tilespmem:s12+$0x14500] =	vst v10  }
0x19a: {  	v10 =	vor.u32 $0x31, v0;
	[tilespmem:s17+$0x10280] =	vst v8;
	v8 =	vld.idx.msk [tilespmem:v17+s3+$0x0], $0xffff  }
0x19b: {  	v17 =	vor.u32 $0xC, v5;
	v9 =	vld.idx.msk [tilespmem:v9+s3+$0x0], $0xffff;
	[tilespmem:s13+$0x13480] =	vst v13  }
0x19c: {  	v13 =	vld.idx.msk [tilespmem:v19+s3+$0x0], $0xffff;
	v19 =	vor.u32 $0x28, v1;
	[tilespmem:s18+$0x17280] =	vst v12  }
0x19d: {  	v12 =	vor.u32 $0x3, v6;
	[tilespmem:s15+$0x12400] =	vst v15;
	v14 =	vld.idx.msk [tilespmem:v14+s3+$0x0], $0xffff  }
0x19e: {  	v15 =	vld.idx.msk [tilespmem:v18+s3+$0x0], $0xffff;
	v18 =	vor.u32 $0x1F, v3;
	[tilespmem:s14+$0x16200] =	vst v11  }
0x19f: {  	v11 =	vor.u32 $0x3B, v2;
	[tilespmem:s16+$0x11380] =	vst v16;
	v10 =	vld.idx.msk [tilespmem:v10+s3+$0x0], $0xffff  }
0x1a0: {  	v16 =	vld.idx.msk [tilespmem:v17+s3+$0x0], $0xffff;
	v17 =	vor.u32 $0x16, v4;
	[tilespmem:s12+$0x14580] =	vst v8  }
0x1a1: {  	[tilespmem:s17+$0x10300] =	vst v9;
	v8 =	vld.idx.msk [tilespmem:v19+s3+$0x0], $0xffff;
	v9 =	vor.u32 $0x32, v0  }
0x1a2: {  	v19 =	vor.u32 $0xD, v5;
	v12 =	vld.idx.msk [tilespmem:v12+s3+$0x0], $0xffff;
	[tilespmem:s13+$0x13500] =	vst v13  }
0x1a3: {  	v13 =	vld.idx.msk [tilespmem:v18+s3+$0x0], $0xffff;
	v18 =	vor.u32 $0x29, v1;
	[tilespmem:s18+$0x17300] =	vst v14  }
0x1a4: {  	v14 =	vor.u32 $0x4, v6;
	[tilespmem:s15+$0x12480] =	vst v15;
	v11 =	vld.idx.msk [tilespmem:v11+s3+$0x0], $0xffff  }
0x1a5: {  	v15 =	vld.idx.msk [tilespmem:v17+s3+$0x0], $0xffff;
	v17 =	vor.u32 $0x20, v3;
	[tilespmem:s14+$0x16280] =	vst v10  }
0x1a6: {  	v10 =	vor.u32 $0x3C, v2;
	[tilespmem:s16+$0x11400] =	vst v16;
	v9 =	vld.idx.msk [tilespmem:v9+s3+$0x0], $0xffff  }
0x1a7: {  	v16 =	vld.idx.msk [tilespmem:v19+s3+$0x0], $0xffff;
	v19 =	vor.u32 $0x17, v4;
	[tilespmem:s12+$0x15200] =	vst v8  }
0x1a8: {  	[tilespmem:s17+$0x10380] =	vst v12;
	v8 =	vld.idx.msk [tilespmem:v18+s3+$0x0], $0xffff;
	v12 =	vor.u32 $0x33, v0  }
0x1a9: {  	v18 =	vor.u32 $0xE, v5;
	v14 =	vld.idx.msk [tilespmem:v14+s3+$0x0], $0xffff;
	[tilespmem:s13+$0x13580] =	vst v13  }
0x1aa: {  	v13 =	vld.idx.msk [tilespmem:v17+s3+$0x0], $0xffff;
	v17 =	vor.u32 $0x2A, v1;
	[tilespmem:s18+$0x17380] =	vst v11  }
0x1ab: {  	v11 =	vor.u32 $0x5, v6;
	[tilespmem:s15+$0x12500] =	vst v15;
	v10 =	vld.idx.msk [tilespmem:v10+s3+$0x0], $0xffff  }
0x1ac: {  	v15 =	vld.idx.msk [tilespmem:v19+s3+$0x0], $0xffff;
	v19 =	vor.u32 $0x21, v3;
	[tilespmem:s14+$0x16300] =	vst v9  }
0x1ad: {  	[tilespmem:s16+$0x11480] =	vst v16;
	v9 =	vld.idx.msk [tilespmem:v12+s3+$0x0], $0xffff;
	v12 =	vor.u32 $0x3D, v2  }
0x1ae: {  	v16 =	vld.idx.msk [tilespmem:v18+s3+$0x0], $0xffff;
	v18 =	vor.u32 $0x18, v4;
	[tilespmem:s12+$0x15280] =	vst v8  }
0x1af: {  	[tilespmem:s17+$0x10400] =	vst v14;
	v8 =	vld.idx.msk [tilespmem:v17+s3+$0x0], $0xffff;
	v14 =	vor.u32 $0x34, v0  }
0x1b0: {  	v17 =	vor.u32 $0xF, v5;
	v11 =	vld.idx.msk [tilespmem:v11+s3+$0x0], $0xffff;
	[tilespmem:s13+$0x14200] =	vst v13  }
0x1b1: {  	v13 =	vld.idx.msk [tilespmem:v19+s3+$0x0], $0xffff;
	v19 =	vor.u32 $0x2B, v1;
	[tilespmem:s18+$0x17400] =	vst v10  }
0x1b2: {  	v10 =	vor.u32 $0x6, v6;
	[tilespmem:s15+$0x12580] =	vst v15;
	v12 =	vld.idx.msk [tilespmem:v12+s3+$0x0], $0xffff  }
0x1b3: {  	v15 =	vld.idx.msk [tilespmem:v18+s3+$0x0], $0xffff;
	v18 =	vor.u32 $0x22, v3;
	[tilespmem:s14+$0x16380] =	vst v9  }
0x1b4: {  	[tilespmem:s16+$0x11500] =	vst v16;
	v9 =	vld.idx.msk [tilespmem:v14+s3+$0x0], $0xffff;
	v14 =	vor.u32 $0x3E, v2  }
0x1b5: {  	v16 =	vld.idx.msk [tilespmem:v17+s3+$0x0], $0xffff;
	v17 =	vor.u32 $0x19, v4;
	[tilespmem:s12+$0x15300] =	vst v8  }
0x1b6: {  	[tilespmem:s17+$0x10480] =	vst v11;
	v8 =	vld.idx.msk [tilespmem:v19+s3+$0x0], $0xffff;
	v11 =	vor.u32 $0x35, v0  }
0x1b7: {  	v19 =	vor.u32 $0x10, v5;
	v10 =	vld.idx.msk [tilespmem:v10+s3+$0x0], $0xffff;
	[tilespmem:s13+$0x14280] =	vst v13  }
0x1b8: {  	v13 =	vld.idx.msk [tilespmem:v18+s3+$0x0], $0xffff;
	v18 =	vor.u32 $0x2C, v1;
	[tilespmem:s18+$0x17480] =	vst v12  }
0x1b9: {  	v12 =	vor.u32 $0x7, v6;
	[tilespmem:s15+$0x13200] =	vst v15;
	v14 =	vld.idx.msk [tilespmem:v14+s3+$0x0], $0xffff  }
0x1ba: {  	v15 =	vor.u32 $0x23, v3;
	v17 =	vld.idx.msk [tilespmem:v17+s3+$0x0], $0xffff;
	[tilespmem:s14+$0x16400] =	vst v9  }
0x1bb: {  	[tilespmem:s16+$0x11580] =	vst v16;
	v9 =	vld.idx.msk [tilespmem:v11+s3+$0x0], $0xffff;
	v11 =	vor.u32 $0x3F, v2;
	v2 =	vmovc v0;
	v0 =	vmovc v1;
	v1 =	vmov v3;
	v3 =	vmov v4  }
0x1bc: {  	v4 =	vmov v5;
	v5 =	vmov v6;
	v19 =	vld.idx.msk [tilespmem:v19+s3+$0x0], $0xffff;
	v16 =	vor.u32 $0x1A, v3;
	[tilespmem:s12+$0x15380] =	vst v8  }
0x1bd: {  	v8 =	vor.u32 $0x36, v2;
	[tilespmem:s17+$0x10500] =	vst v10;
	v18 =	vld.idx.msk [tilespmem:v18+s3+$0x0], $0xffff  }
0x1be: {  	v21 =	vor.u32 $0x11, v4;
	v20 =	vld.idx.msk [tilespmem:v12+s3+$0x0], $0xffff;
	[tilespmem:s13+$0x14300] =	vst v13  }
0x1bf: {  	v13 =	vor.u32 $0x2D, v0;
	v10 =	vld.idx.msk [tilespmem:v15+s3+$0x0], $0xffff;
	[tilespmem:s18+$0x17500] =	vst v14  }
.Ltmp0:
0x1c0: {  	v15 =	vor.u32 $0x8, v5;
	[tilespmem:s15+$0x13280] =	vst v17;
	v12 =	vld.idx.msk [tilespmem:v11+s3+$0x0], $0xffff;
	(pc) =	sbr.rel @p0 .LBB2_2-.Ltmp0, $4  }
0x1c1: {  	v6 =	vld.idx.msk [tilespmem:v16+s3+$0x0], $0xffff;
	v16 =	vor.u32 $0x24, v1;
	[tilespmem:s14+$0x16480] =	vst v9  }
0x1c2: {  	s23 =	sor.u32 s19, s21;
	s21 =	smov.u32 s22;
	[tilespmem:s16+$0x12200] =	vst v19;
	v8 =	vld.idx.msk [tilespmem:v8+s3+$0x0], $0xffff  }
0x1c3: {  	s23 =	sor.u32 $0x380, s23;
	v14 =	vor.u32 $0x1B, v3;
	v9 =	vld.idx.msk [tilespmem:v21+s3+$0x0], $0xffff;
	[tilespmem:s12+$0x15400] =	vst v18  }
0x1c4: {  	s22 =	sadd.s32 $0x10, s22;
	[tilespmem:s23+$0x10200] =	vst v20;
	v11 =	vld.idx.msk [tilespmem:v13+s3+$0x0], $0xffff;
	v13 =	vor.u32 $0x37, v2  }
0x1c5: {  	_ =	sdelay $0x2  }
0x1c6: {  	v17 =	vor.u32 $0x12, v4;
	[tilespmem:s13+$0x14380] =	vst v10  }
0x1c7: {  	v50 =	vld.idx.msk [tilespmem:v15+s3+$0x0], $0xffff;
	v51 =	vor.u32 $0x2E, v0;
	[tilespmem:s18+$0x17580] =	vst v12  }
0x1c8: {  	v53 =	vor.u32 $0x9, v5;
	v52 =	vld.idx.msk [tilespmem:v16+s3+$0x0], $0xffff;
	[tilespmem:s15+$0x13300] =	vst v6  }
0x1c9: {  	v6 =	vshll.u32 v7, $0x6;
	v14 =	vld.idx.msk [tilespmem:v14+s3+$0x0], $0xffff;
	[tilespmem:s14+$0x16500] =	vst v8  }
0x1ca: {  	v18 =	vor.u32 $0x25, v1;
	[tilespmem:s16+$0x12280] =	vst v9;
	v54 =	vld.idx.msk [tilespmem:v13+s3+$0x0], $0xffff  }
0x1cb: {  	v56 =	vor.u32 $0x1C, v3;
	[tilespmem:s12+$0x15480] =	vst v11;
	v55 =	vld.idx.msk [tilespmem:v17+s3+$0x0], $0xffff  }
0x1cc: {  	v57 =	vor.u32 $0x38, v2;
	[tilespmem:s17+$0x11200] =	vst v50;
	v11 =	vld.idx.msk [tilespmem:v51+s3+$0x0], $0xffff  }
0x1cd: {  	v58 =	vor.u32 $0x13, v4;
	v16 =	vld.idx.msk [tilespmem:v53+s3+$0x0], $0xffff;
	[tilespmem:s13+$0x14400] =	vst v52  }
0x1ce: {  	v59 =	vor.u32 $0x2F, v0;
	v60 =	vld.idx.msk [tilespmem:v6+s3+$0x0], $0xffff;
	[tilespmem:s15+$0x13380] =	vst v14  }
0x1cf: {  	v61 =	vor.u32 $0x1, v6;
	v9 =	vld.idx.msk [tilespmem:v18+s3+$0x0], $0xffff;
	[tilespmem:s14+$0x16580] =	vst v54  }
0x1d0: {  	s19 =	sadd.s32 $0x80, s19;
	v10 =	vld.idx.msk [tilespmem:v56+s3+$0x0], $0xffff;
	[tilespmem:s16+$0x12300] =	vst v55  }
0x1d1: {  	s31 =	sand.u32 $0x70, s21;
	s20 =	sand.u32 $0xC00, s19;
	v8 =	vld.idx.msk [tilespmem:v57+s3+$0x0], $0xffff;
	[tilespmem:s12+$0x15500] =	vst v11  }
0x1d2: {  	s18 =	sor.u32 s31, s20;
	v62 =	vld.idx.msk [tilespmem:v58+s3+$0x0], $0xffff;
	[tilespmem:s17+$0x11280] =	vst v16  }
0x1d3: {  	v7 =	vld.idx.msk [tilespmem:v59+s3+$0x0], $0xffff;
	[tilespmem:s18+$0x10200] =	vst v60  }
0x1d4: {  	v12 =	vld.idx.msk [tilespmem:v61+s3+$0x0], $0xffff  }
0x1d5: {  	v63 =	vor.u32 $0x2, v6;
	_ =	sdelay $0x3  }
0x1d6: {  	[tilespmem:s18+$0x10280] =	vst v12  }
0x1d7: {  	v12 =	vld.idx.msk [tilespmem:v63+s3+$0x0], $0xffff  }
0x1d8: {  	v16 =	vor.u32 $0x3, v6;
	_ =	sdelay $0x3  }
0x1d9: {  	[tilespmem:s18+$0x10300] =	vst v12  }
0x1da: {  	v12 =	vld.idx.msk [tilespmem:v16+s3+$0x0], $0xffff  }
0x1db: {  	v17 =	vor.u32 $0x4, v6;
	_ =	sdelay $0x3  }
0x1dc: {  	[tilespmem:s18+$0x10380] =	vst v12  }
0x1dd: {  	v12 =	vld.idx.msk [tilespmem:v17+s3+$0x0], $0xffff  }
0x1de: {  	v18 =	vor.u32 $0x5, v6;
	_ =	sdelay $0x3  }
0x1df: {  	[tilespmem:s18+$0x10400] =	vst v12  }
0x1e0: {  	v12 =	vld.idx.msk [tilespmem:v18+s3+$0x0], $0xffff  }
0x1e1: {  	v19 =	vor.u32 $0x6, v6;
	_ =	sdelay $0x3  }
0x1e2: {  	[tilespmem:s18+$0x10480] =	vst v12  }
0x1e3: {  	v12 =	vld.idx.msk [tilespmem:v19+s3+$0x0], $0xffff  }
0x1e4: {  	v20 =	vor.u32 $0x7, v6;
	_ =	sdelay $0x3  }
0x1e5: {  	[tilespmem:s18+$0x10500] =	vst v12  }
0x1e6: {  	v12 =	vld.idx.msk [tilespmem:v20+s3+$0x0], $0xffff  }
0x1e7: {  	v21 =	vor.u32 $0x8, v6;
	_ =	sdelay $0x1  }
0x1e8: {  	s19 =	sor.u32 s19, s21  }
0x1e9: {  	s19 =	sor.u32 $0x380, s19  }
0x1ea: {  	[tilespmem:s19+$0x10200] =	vst v12  }
0x1eb: {  	v12 =	vld.idx.msk [tilespmem:v21+s3+$0x0], $0xffff  }
0x1ec: {  	v22 =	vor.u32 $0x9, v6;
	_ =	sdelay $0x3  }
0x1ed: {  	[tilespmem:s18+$0x11200] =	vst v12  }
0x1ee: {  	v23 =	vor.u32 $0xA, v5;
	v13 =	vld.idx.msk [tilespmem:v22+s3+$0x0], $0xffff  }
0x1ef: {  	v24 =	vor.u32 $0xA, v6;
	_ =	sdelay $0x3  }
0x1f0: {  	v12 =	vld.idx.msk [tilespmem:v23+s3+$0x0], $0xffff;
	[tilespmem:s18+$0x11280] =	vst v13  }
0x1f1: {  	v25 =	vor.u32 $0xB, v5;
	v14 =	vld.idx.msk [tilespmem:v24+s3+$0x0], $0xffff  }
0x1f2: {  	v26 =	vor.u32 $0xB, v6;
	_ =	sdelay $0x2  }
0x1f3: {  	[tilespmem:s17+$0x11300] =	vst v12  }
0x1f4: {  	v12 =	vld.idx.msk [tilespmem:v25+s3+$0x0], $0xffff;
	[tilespmem:s18+$0x11300] =	vst v14  }
0x1f5: {  	v27 =	vor.u32 $0xC, v5;
	v14 =	vld.idx.msk [tilespmem:v26+s3+$0x0], $0xffff  }
0x1f6: {  	v28 =	vor.u32 $0xC, v6;
	_ =	sdelay $0x2  }
0x1f7: {  	[tilespmem:s17+$0x11380] =	vst v12  }
0x1f8: {  	v12 =	vld.idx.msk [tilespmem:v27+s3+$0x0], $0xffff;
	[tilespmem:s18+$0x11380] =	vst v14  }
0x1f9: {  	v29 =	vor.u32 $0xD, v5;
	v14 =	vld.idx.msk [tilespmem:v28+s3+$0x0], $0xffff  }
0x1fa: {  	v30 =	vor.u32 $0xD, v6;
	_ =	sdelay $0x2  }
0x1fb: {  	[tilespmem:s17+$0x11400] =	vst v12  }
0x1fc: {  	v12 =	vld.idx.msk [tilespmem:v29+s3+$0x0], $0xffff;
	[tilespmem:s18+$0x11400] =	vst v14  }
0x1fd: {  	v31 =	vor.u32 $0xE, v5;
	v14 =	vld.idx.msk [tilespmem:v30+s3+$0x0], $0xffff  }
0x1fe: {  	v32 =	vor.u32 $0xE, v6;
	_ =	sdelay $0x2  }
0x1ff: {  	[tilespmem:s17+$0x11480] =	vst v12  }
0x200: {  	v12 =	vld.idx.msk [tilespmem:v31+s3+$0x0], $0xffff;
	[tilespmem:s18+$0x11480] =	vst v14  }
0x201: {  	v33 =	vor.u32 $0xF, v5;
	v14 =	vld.idx.msk [tilespmem:v32+s3+$0x0], $0xffff  }
0x202: {  	v34 =	vor.u32 $0xF, v6;
	_ =	sdelay $0x2  }
0x203: {  	[tilespmem:s17+$0x11500] =	vst v12  }
0x204: {  	v12 =	vld.idx.msk [tilespmem:v33+s3+$0x0], $0xffff;
	[tilespmem:s18+$0x11500] =	vst v14  }
0x205: {  	v35 =	vor.u32 $0x10, v5;
	v14 =	vld.idx.msk [tilespmem:v34+s3+$0x0], $0xffff  }
0x206: {  	v36 =	vor.u32 $0x10, v6;
	_ =	sdelay $0x2  }
0x207: {  	[tilespmem:s17+$0x11580] =	vst v12  }
0x208: {  	v12 =	vld.idx.msk [tilespmem:v35+s3+$0x0], $0xffff;
	[tilespmem:s18+$0x11580] =	vst v14  }
0x209: {  	v37 =	vor.u32 $0x11, v5;
	v14 =	vld.idx.msk [tilespmem:v36+s3+$0x0], $0xffff  }
0x20a: {  	v38 =	vor.u32 $0x11, v6;
	_ =	sdelay $0x2  }
0x20b: {  	[tilespmem:s17+$0x12200] =	vst v12  }
0x20c: {  	v12 =	vld.idx.msk [tilespmem:v37+s3+$0x0], $0xffff;
	[tilespmem:s18+$0x12200] =	vst v14  }
0x20d: {  	v39 =	vor.u32 $0x12, v5;
	v14 =	vld.idx.msk [tilespmem:v38+s3+$0x0], $0xffff  }
0x20e: {  	v40 =	vor.u32 $0x12, v6;
	_ =	sdelay $0x2  }
0x20f: {  	[tilespmem:s17+$0x12280] =	vst v12  }
0x210: {  	v12 =	vld.idx.msk [tilespmem:v39+s3+$0x0], $0xffff;
	[tilespmem:s18+$0x12280] =	vst v14  }
0x211: {  	v41 =	vor.u32 $0x13, v5;
	v14 =	vld.idx.msk [tilespmem:v40+s3+$0x0], $0xffff  }
0x212: {  	v42 =	vor.u32 $0x13, v6;
	_ =	sdelay $0x2  }
0x213: {  	[tilespmem:s17+$0x12300] =	vst v12  }
0x214: {  	v43 =	vor.u32 $0x14, v4;
	v13 =	vld.idx.msk [tilespmem:v41+s3+$0x0], $0xffff;
	[tilespmem:s18+$0x12300] =	vst v14  }
0x215: {  	v44 =	vor.u32 $0x14, v5;
	v15 =	vld.idx.msk [tilespmem:v42+s3+$0x0], $0xffff  }
0x216: {  	v45 =	vor.u32 $0x14, v6;
	_ =	sdelay $0x1  }
0x217: {  	[tilespmem:s16+$0x12380] =	vst v62  }
0x218: {  	v11 =	vld.idx.msk [tilespmem:v43+s3+$0x0], $0xffff;
	[tilespmem:s17+$0x12380] =	vst v13  }
0x219: {  	v46 =	vor.u32 $0x15, v4;
	v13 =	vld.idx.msk [tilespmem:v44+s3+$0x0], $0xffff;
	[tilespmem:s18+$0x12380] =	vst v15  }
0x21a: {  	v47 =	vor.u32 $0x15, v5;
	v15 =	vld.idx.msk [tilespmem:v45+s3+$0x0], $0xffff  }
0x21b: {  	v48 =	vor.u32 $0x15, v6;
	_ =	sdelay $0x1  }
0x21c: {  	[tilespmem:s16+$0x12400] =	vst v11  }
0x21d: {  	v11 =	vld.idx.msk [tilespmem:v46+s3+$0x0], $0xffff;
	[tilespmem:s17+$0x12400] =	vst v13  }
0x21e: {  	v49 =	vor.u32 $0x16, v4;
	v13 =	vld.idx.msk [tilespmem:v47+s3+$0x0], $0xffff;
	[tilespmem:s18+$0x12400] =	vst v15  }
0x21f: {  	v50 =	vor.u32 $0x16, v5;
	v15 =	vld.idx.msk [tilespmem:v48+s3+$0x0], $0xffff  }
0x220: {  	v51 =	vor.u32 $0x16, v6;
	_ =	sdelay $0x1  }
0x221: {  	[tilespmem:s16+$0x12480] =	vst v11  }
0x222: {  	v11 =	vld.idx.msk [tilespmem:v49+s3+$0x0], $0xffff;
	[tilespmem:s17+$0x12480] =	vst v13  }
0x223: {  	v52 =	vor.u32 $0x17, v4;
	v13 =	vld.idx.msk [tilespmem:v50+s3+$0x0], $0xffff;
	[tilespmem:s18+$0x12480] =	vst v15  }
0x224: {  	v53 =	vor.u32 $0x17, v5;
	v15 =	vld.idx.msk [tilespmem:v51+s3+$0x0], $0xffff  }
0x225: {  	v54 =	vor.u32 $0x17, v6;
	_ =	sdelay $0x1  }
0x226: {  	[tilespmem:s16+$0x12500] =	vst v11  }
0x227: {  	v11 =	vld.idx.msk [tilespmem:v52+s3+$0x0], $0xffff;
	[tilespmem:s17+$0x12500] =	vst v13  }
0x228: {  	v55 =	vor.u32 $0x18, v4;
	v13 =	vld.idx.msk [tilespmem:v53+s3+$0x0], $0xffff;
	[tilespmem:s18+$0x12500] =	vst v15  }
0x229: {  	v56 =	vor.u32 $0x18, v5;
	v15 =	vld.idx.msk [tilespmem:v54+s3+$0x0], $0xffff  }
0x22a: {  	v57 =	vor.u32 $0x18, v6;
	_ =	sdelay $0x1  }
0x22b: {  	[tilespmem:s16+$0x12580] =	vst v11  }
0x22c: {  	v11 =	vld.idx.msk [tilespmem:v55+s3+$0x0], $0xffff;
	[tilespmem:s17+$0x12580] =	vst v13  }
0x22d: {  	v58 =	vor.u32 $0x19, v4;
	v13 =	vld.idx.msk [tilespmem:v56+s3+$0x0], $0xffff;
	[tilespmem:s18+$0x12580] =	vst v15  }
0x22e: {  	v59 =	vor.u32 $0x19, v5;
	v15 =	vld.idx.msk [tilespmem:v57+s3+$0x0], $0xffff  }
0x22f: {  	v60 =	vor.u32 $0x19, v6;
	_ =	sdelay $0x1  }
0x230: {  	[tilespmem:s16+$0x13200] =	vst v11  }
0x231: {  	v11 =	vld.idx.msk [tilespmem:v58+s3+$0x0], $0xffff;
	[tilespmem:s17+$0x13200] =	vst v13  }
0x232: {  	v61 =	vor.u32 $0x1A, v4;
	v13 =	vld.idx.msk [tilespmem:v59+s3+$0x0], $0xffff;
	[tilespmem:s18+$0x13200] =	vst v15  }
0x233: {  	v62 =	vor.u32 $0x1A, v5;
	v15 =	vld.idx.msk [tilespmem:v60+s3+$0x0], $0xffff  }
0x234: {  	v63 =	vor.u32 $0x1A, v6;
	_ =	sdelay $0x1  }
0x235: {  	[tilespmem:s16+$0x13280] =	vst v11  }
0x236: {  	v11 =	vld.idx.msk [tilespmem:v61+s3+$0x0], $0xffff;
	[tilespmem:s17+$0x13280] =	vst v13  }
0x237: {  	v20 =	vor.u32 $0x1B, v4;
	v13 =	vld.idx.msk [tilespmem:v62+s3+$0x0], $0xffff;
	[tilespmem:s18+$0x13280] =	vst v15  }
0x238: {  	v21 =	vor.u32 $0x1B, v5;
	v15 =	vld.idx.msk [tilespmem:v63+s3+$0x0], $0xffff  }
0x239: {  	v22 =	vor.u32 $0x1B, v6;
	_ =	sdelay $0x1  }
0x23a: {  	[tilespmem:s16+$0x13300] =	vst v11  }
0x23b: {  	v11 =	vld.idx.msk [tilespmem:v20+s3+$0x0], $0xffff;
	[tilespmem:s17+$0x13300] =	vst v13  }
0x23c: {  	v23 =	vor.u32 $0x1C, v4;
	v13 =	vld.idx.msk [tilespmem:v21+s3+$0x0], $0xffff;
	[tilespmem:s18+$0x13300] =	vst v15  }
0x23d: {  	v24 =	vor.u32 $0x1C, v5;
	v15 =	vld.idx.msk [tilespmem:v22+s3+$0x0], $0xffff  }
0x23e: {  	v25 =	vor.u32 $0x1C, v6;
	_ =	sdelay $0x1  }
0x23f: {  	[tilespmem:s16+$0x13380] =	vst v11  }
0x240: {  	v26 =	vor.u32 $0x1D, v3;
	v12 =	vld.idx.msk [tilespmem:v23+s3+$0x0], $0xffff;
	[tilespmem:s17+$0x13380] =	vst v13  }
0x241: {  	v27 =	vor.u32 $0x1D, v4;
	v14 =	vld.idx.msk [tilespmem:v24+s3+$0x0], $0xffff;
	[tilespmem:s18+$0x13380] =	vst v15  }
0x242: {  	v28 =	vor.u32 $0x1D, v5;
	v16 =	vld.idx.msk [tilespmem:v25+s3+$0x0], $0xffff  }
0x243: {  	v29 =	vor.u32 $0x1D, v6  }
0x244: {  	[tilespmem:s15+$0x13400] =	vst v10  }
0x245: {  	v10 =	vld.idx.msk [tilespmem:v26+s3+$0x0], $0xffff;
	[tilespmem:s16+$0x13400] =	vst v12  }
0x246: {  	v30 =	vor.u32 $0x1E, v3;
	v12 =	vld.idx.msk [tilespmem:v27+s3+$0x0], $0xffff;
	[tilespmem:s17+$0x13400] =	vst v14  }
0x247: {  	v31 =	vor.u32 $0x1E, v4;
	v14 =	vld.idx.msk [tilespmem:v28+s3+$0x0], $0xffff;
	[tilespmem:s18+$0x13400] =	vst v16  }
0x248: {  	v32 =	vor.u32 $0x1E, v5;
	v16 =	vld.idx.msk [tilespmem:v29+s3+$0x0], $0xffff  }
0x249: {  	v33 =	vor.u32 $0x1E, v6  }
0x24a: {  	[tilespmem:s15+$0x13480] =	vst v10  }
0x24b: {  	v10 =	vld.idx.msk [tilespmem:v30+s3+$0x0], $0xffff;
	[tilespmem:s16+$0x13480] =	vst v12  }
0x24c: {  	v34 =	vor.u32 $0x1F, v3;
	v12 =	vld.idx.msk [tilespmem:v31+s3+$0x0], $0xffff;
	[tilespmem:s17+$0x13480] =	vst v14  }
0x24d: {  	v35 =	vor.u32 $0x1F, v4;
	v14 =	vld.idx.msk [tilespmem:v32+s3+$0x0], $0xffff;
	[tilespmem:s18+$0x13480] =	vst v16  }
0x24e: {  	v36 =	vor.u32 $0x1F, v5;
	v16 =	vld.idx.msk [tilespmem:v33+s3+$0x0], $0xffff  }
0x24f: {  	v37 =	vor.u32 $0x1F, v6  }
0x250: {  	[tilespmem:s15+$0x13500] =	vst v10  }
0x251: {  	v10 =	vld.idx.msk [tilespmem:v34+s3+$0x0], $0xffff;
	[tilespmem:s16+$0x13500] =	vst v12  }
0x252: {  	v38 =	vor.u32 $0x20, v3;
	v12 =	vld.idx.msk [tilespmem:v35+s3+$0x0], $0xffff;
	[tilespmem:s17+$0x13500] =	vst v14  }
0x253: {  	v39 =	vor.u32 $0x20, v4;
	v14 =	vld.idx.msk [tilespmem:v36+s3+$0x0], $0xffff;
	[tilespmem:s18+$0x13500] =	vst v16  }
0x254: {  	v40 =	vor.u32 $0x20, v5;
	v16 =	vld.idx.msk [tilespmem:v37+s3+$0x0], $0xffff  }
0x255: {  	v41 =	vor.u32 $0x20, v6  }
0x256: {  	[tilespmem:s15+$0x13580] =	vst v10  }
0x257: {  	v10 =	vld.idx.msk [tilespmem:v38+s3+$0x0], $0xffff;
	[tilespmem:s16+$0x13580] =	vst v12  }
0x258: {  	v42 =	vor.u32 $0x21, v3;
	v12 =	vld.idx.msk [tilespmem:v39+s3+$0x0], $0xffff;
	[tilespmem:s17+$0x13580] =	vst v14  }
0x259: {  	v43 =	vor.u32 $0x21, v4;
	v14 =	vld.idx.msk [tilespmem:v40+s3+$0x0], $0xffff;
	[tilespmem:s18+$0x13580] =	vst v16  }
0x25a: {  	v44 =	vor.u32 $0x21, v5;
	v16 =	vld.idx.msk [tilespmem:v41+s3+$0x0], $0xffff  }
0x25b: {  	v45 =	vor.u32 $0x21, v6  }
0x25c: {  	[tilespmem:s15+$0x14200] =	vst v10  }
0x25d: {  	v10 =	vld.idx.msk [tilespmem:v42+s3+$0x0], $0xffff;
	[tilespmem:s16+$0x14200] =	vst v12  }
0x25e: {  	v46 =	vor.u32 $0x22, v3;
	v12 =	vld.idx.msk [tilespmem:v43+s3+$0x0], $0xffff;
	[tilespmem:s17+$0x14200] =	vst v14  }
0x25f: {  	v47 =	vor.u32 $0x22, v4;
	v14 =	vld.idx.msk [tilespmem:v44+s3+$0x0], $0xffff;
	[tilespmem:s18+$0x14200] =	vst v16  }
0x260: {  	v48 =	vor.u32 $0x22, v5;
	v16 =	vld.idx.msk [tilespmem:v45+s3+$0x0], $0xffff  }
0x261: {  	v49 =	vor.u32 $0x22, v6  }
0x262: {  	[tilespmem:s15+$0x14280] =	vst v10  }
0x263: {  	v10 =	vld.idx.msk [tilespmem:v46+s3+$0x0], $0xffff;
	[tilespmem:s16+$0x14280] =	vst v12  }
0x264: {  	v50 =	vor.u32 $0x23, v3;
	v12 =	vld.idx.msk [tilespmem:v47+s3+$0x0], $0xffff;
	[tilespmem:s17+$0x14280] =	vst v14  }
0x265: {  	v51 =	vor.u32 $0x23, v4;
	v14 =	vld.idx.msk [tilespmem:v48+s3+$0x0], $0xffff;
	[tilespmem:s18+$0x14280] =	vst v16  }
0x266: {  	v52 =	vor.u32 $0x23, v5;
	v16 =	vld.idx.msk [tilespmem:v49+s3+$0x0], $0xffff  }
0x267: {  	v53 =	vor.u32 $0x23, v6  }
0x268: {  	[tilespmem:s15+$0x14300] =	vst v10  }
0x269: {  	v10 =	vld.idx.msk [tilespmem:v50+s3+$0x0], $0xffff;
	[tilespmem:s16+$0x14300] =	vst v12  }
0x26a: {  	v54 =	vor.u32 $0x24, v3;
	v12 =	vld.idx.msk [tilespmem:v51+s3+$0x0], $0xffff;
	[tilespmem:s17+$0x14300] =	vst v14  }
0x26b: {  	v55 =	vor.u32 $0x24, v4;
	v14 =	vld.idx.msk [tilespmem:v52+s3+$0x0], $0xffff;
	[tilespmem:s18+$0x14300] =	vst v16  }
0x26c: {  	v56 =	vor.u32 $0x24, v5;
	v16 =	vld.idx.msk [tilespmem:v53+s3+$0x0], $0xffff  }
0x26d: {  	v57 =	vor.u32 $0x24, v6  }
0x26e: {  	[tilespmem:s15+$0x14380] =	vst v10  }
0x26f: {  	v10 =	vld.idx.msk [tilespmem:v54+s3+$0x0], $0xffff;
	[tilespmem:s16+$0x14380] =	vst v12  }
0x270: {  	v58 =	vor.u32 $0x25, v3;
	v12 =	vld.idx.msk [tilespmem:v55+s3+$0x0], $0xffff;
	[tilespmem:s17+$0x14380] =	vst v14  }
0x271: {  	v59 =	vor.u32 $0x25, v4;
	v14 =	vld.idx.msk [tilespmem:v56+s3+$0x0], $0xffff;
	[tilespmem:s18+$0x14380] =	vst v16  }
0x272: {  	v60 =	vor.u32 $0x25, v5;
	v16 =	vld.idx.msk [tilespmem:v57+s3+$0x0], $0xffff  }
0x273: {  	v61 =	vor.u32 $0x25, v6  }
0x274: {  	[tilespmem:s15+$0x14400] =	vst v10;
	v62 =	vor.u32 $0x26, v1  }
0x275: {  	v11 =	vld.idx.msk [tilespmem:v58+s3+$0x0], $0xffff;
	[tilespmem:s16+$0x14400] =	vst v12  }
0x276: {  	v63 =	vor.u32 $0x26, v3;
	v13 =	vld.idx.msk [tilespmem:v59+s3+$0x0], $0xffff;
	[tilespmem:s17+$0x14400] =	vst v14  }
0x277: {  	v20 =	vor.u32 $0x26, v4;
	v15 =	vld.idx.msk [tilespmem:v60+s3+$0x0], $0xffff;
	[tilespmem:s18+$0x14400] =	vst v16  }
0x278: {  	[tilespmem:s13+$0x14480] =	vst v9;
	v21 =	vor.u32 $0x26, v5;
	v17 =	vld.idx.msk [tilespmem:v61+s3+$0x0], $0xffff  }
0x279: {  	v10 =	vld.idx.msk [tilespmem:v62+s3+$0x0], $0xffff;
	v22 =	vor.u32 $0x26, v6  }
0x27a: {  	v23 =	vor.u32 $0x27, v1;
	[tilespmem:s15+$0x14480] =	vst v11  }
0x27b: {  	v12 =	vld.idx.msk [tilespmem:v63+s3+$0x0], $0xffff;
	[tilespmem:s16+$0x14480] =	vst v13  }
0x27c: {  	v24 =	vor.u32 $0x27, v3;
	v14 =	vld.idx.msk [tilespmem:v20+s3+$0x0], $0xffff;
	[tilespmem:s17+$0x14480] =	vst v15  }
0x27d: {  	v25 =	vor.u32 $0x27, v4;
	v16 =	vld.idx.msk [tilespmem:v21+s3+$0x0], $0xffff;
	[tilespmem:s18+$0x14480] =	vst v17  }
0x27e: {  	v26 =	vor.u32 $0x27, v5;
	[tilespmem:s13+$0x14500] =	vst v10;
	v9 =	vld.idx.msk [tilespmem:v22+s3+$0x0], $0xffff  }
0x27f: {  	v27 =	vor.u32 $0x27, v6;
	v11 =	vld.idx.msk [tilespmem:v23+s3+$0x0], $0xffff  }
0x280: {  	[tilespmem:s15+$0x14500] =	vst v12;
	v28 =	vor.u32 $0x28, v1  }
0x281: {  	v13 =	vld.idx.msk [tilespmem:v24+s3+$0x0], $0xffff;
	[tilespmem:s16+$0x14500] =	vst v14  }
0x282: {  	v29 =	vor.u32 $0x28, v3;
	v15 =	vld.idx.msk [tilespmem:v25+s3+$0x0], $0xffff;
	[tilespmem:s17+$0x14500] =	vst v16  }
0x283: {  	v30 =	vor.u32 $0x28, v4;
	v17 =	vld.idx.msk [tilespmem:v26+s3+$0x0], $0xffff;
	[tilespmem:s18+$0x14500] =	vst v9  }
0x284: {  	v31 =	vor.u32 $0x28, v5;
	[tilespmem:s13+$0x14580] =	vst v11;
	v9 =	vld.idx.msk [tilespmem:v27+s3+$0x0], $0xffff  }
0x285: {  	[tilespmem:s14+$0x17200] =	vst v8;
	v12 =	vld.idx.msk [tilespmem:v28+s3+$0x0], $0xffff;
	v32 =	vor.u32 $0x28, v6  }
0x286: {  	v34 =	vor.u32 $0x29, v1;
	[tilespmem:s15+$0x14580] =	vst v13  }
0x287: {  	v33 =	vor.u32 $0x39, v2;
	v14 =	vld.idx.msk [tilespmem:v29+s3+$0x0], $0xffff;
	[tilespmem:s16+$0x14580] =	vst v15  }
0x288: {  	v35 =	vor.u32 $0x29, v3;
	v16 =	vld.idx.msk [tilespmem:v30+s3+$0x0], $0xffff;
	[tilespmem:s17+$0x14580] =	vst v17  }
0x289: {  	v36 =	vor.u32 $0x29, v4;
	v8 =	vld.idx.msk [tilespmem:v31+s3+$0x0], $0xffff;
	[tilespmem:s18+$0x14580] =	vst v9  }
0x28a: {  	[tilespmem:s13+$0x15200] =	vst v12;
	v37 =	vor.u32 $0x29, v5;
	v9 =	vld.idx.msk [tilespmem:v32+s3+$0x0], $0xffff  }
0x28b: {  	[tilespmem:s12+$0x15580] =	vst v7;
	v39 =	vor.u32 $0x29, v6;
	v13 =	vld.idx.msk [tilespmem:v34+s3+$0x0], $0xffff  }
0x28c: {  	v38 =	vld.idx.msk [tilespmem:v33+s3+$0x0], $0xffff;
	v40 =	vor.u32 $0x30, v0;
	[tilespmem:s15+$0x15200] =	vst v14  }
0x28d: {  	v41 =	vor.u32 $0x2A, v1;
	v15 =	vld.idx.msk [tilespmem:v35+s3+$0x0], $0xffff;
	[tilespmem:s16+$0x15200] =	vst v16  }
0x28e: {  	v42 =	vor.u32 $0x2A, v3;
	v17 =	vld.idx.msk [tilespmem:v36+s3+$0x0], $0xffff;
	[tilespmem:s17+$0x15200] =	vst v8  }
0x28f: {  	v43 =	vor.u32 $0x2A, v4;
	v7 =	vld.idx.msk [tilespmem:v37+s3+$0x0], $0xffff;
	[tilespmem:s18+$0x15200] =	vst v9  }
0x290: {  	[tilespmem:s13+$0x15280] =	vst v13;
	v44 =	vor.u32 $0x2A, v5;
	v45 =	vld.idx.msk [tilespmem:v39+s3+$0x0], $0xffff  }
0x291: {  	v47 =	vor.u32 $0x2A, v6;
	[tilespmem:s14+$0x17280] =	vst v38;
	v46 =	vld.idx.msk [tilespmem:v40+s3+$0x0], $0xffff  }
0x292: {  	v48 =	vor.u32 $0x3A, v2;
	v14 =	vld.idx.msk [tilespmem:v41+s3+$0x0], $0xffff;
	[tilespmem:s15+$0x15280] =	vst v15  }
0x293: {  	v49 =	vor.u32 $0x2B, v1;
	v16 =	vld.idx.msk [tilespmem:v42+s3+$0x0], $0xffff;
	[tilespmem:s16+$0x15280] =	vst v17  }
0x294: {  	v50 =	vor.u32 $0x2B, v3;
	v8 =	vld.idx.msk [tilespmem:v43+s3+$0x0], $0xffff;
	[tilespmem:s17+$0x15280] =	vst v7  }
0x295: {  	v51 =	vor.u32 $0x2B, v4;
	v9 =	vld.idx.msk [tilespmem:v44+s3+$0x0], $0xffff;
	[tilespmem:s18+$0x15280] =	vst v45  }
0x296: {  	[tilespmem:s12+$0x16200] =	vst v46;
	v52 =	vor.u32 $0x2B, v5;
	v53 =	vld.idx.msk [tilespmem:v47+s3+$0x0], $0xffff  }
0x297: {  	v55 =	vor.u32 $0x2B, v6;
	v54 =	vld.idx.msk [tilespmem:v48+s3+$0x0], $0xffff;
	[tilespmem:s13+$0x15300] =	vst v14  }
0x298: {  	v56 =	vor.u32 $0x31, v0;
	v15 =	vld.idx.msk [tilespmem:v49+s3+$0x0], $0xffff;
	[tilespmem:s15+$0x15300] =	vst v16  }
0x299: {  	v57 =	vor.u32 $0x2C, v1;
	v17 =	vld.idx.msk [tilespmem:v50+s3+$0x0], $0xffff;
	[tilespmem:s16+$0x15300] =	vst v8  }
0x29a: {  	v58 =	vor.u32 $0x2C, v3;
	v7 =	vld.idx.msk [tilespmem:v51+s3+$0x0], $0xffff;
	[tilespmem:s17+$0x15300] =	vst v9  }
0x29b: {  	v59 =	vor.u32 $0x2C, v4;
	v10 =	vld.idx.msk [tilespmem:v52+s3+$0x0], $0xffff;
	[tilespmem:s18+$0x15300] =	vst v53  }
0x29c: {  	[tilespmem:s14+$0x17300] =	vst v54;
	v60 =	vor.u32 $0x2C, v5;
	v61 =	vld.idx.msk [tilespmem:v55+s3+$0x0], $0xffff  }
0x29d: {  	v63 =	vor.u32 $0x2C, v6;
	v62 =	vld.idx.msk [tilespmem:v56+s3+$0x0], $0xffff;
	[tilespmem:s13+$0x15380] =	vst v15  }
0x29e: {  	v28 =	vor.u32 $0x32, v0;
	v16 =	vld.idx.msk [tilespmem:v57+s3+$0x0], $0xffff;
	[tilespmem:s15+$0x15380] =	vst v17  }
0x29f: {  	v21 =	vor.u32 $0x2D, v1;
	v8 =	vld.idx.msk [tilespmem:v58+s3+$0x0], $0xffff;
	[tilespmem:s16+$0x15380] =	vst v7  }
0x2a0: {  	v22 =	vor.u32 $0x2D, v3;
	v9 =	vld.idx.msk [tilespmem:v59+s3+$0x0], $0xffff;
	[tilespmem:s17+$0x15380] =	vst v10  }
0x2a1: {  	v23 =	vor.u32 $0x2D, v4;
	v11 =	vld.idx.msk [tilespmem:v60+s3+$0x0], $0xffff;
	[tilespmem:s18+$0x15380] =	vst v61  }
0x2a2: {  	v24 =	vor.u32 $0x2D, v5;
	[tilespmem:s12+$0x16280] =	vst v62;
	v25 =	vld.idx.msk [tilespmem:v63+s3+$0x0], $0xffff  }
0x2a3: {  	v34 =	vld.idx.msk [tilespmem:v28+s3+$0x0], $0xffff;
	v27 =	vor.u32 $0x2D, v6;
	[tilespmem:s13+$0x15400] =	vst v16  }
0x2a4: {  	v20 =	vor.u32 $0x3B, v2;
	v17 =	vld.idx.msk [tilespmem:v21+s3+$0x0], $0xffff;
	[tilespmem:s15+$0x15400] =	vst v8  }
0x2a5: {  	v29 =	vor.u32 $0x2E, v1;
	v7 =	vld.idx.msk [tilespmem:v22+s3+$0x0], $0xffff;
	[tilespmem:s16+$0x15400] =	vst v9  }
0x2a6: {  	v30 =	vor.u32 $0x2E, v3;
	v10 =	vld.idx.msk [tilespmem:v23+s3+$0x0], $0xffff;
	[tilespmem:s17+$0x15400] =	vst v11  }
0x2a7: {  	v31 =	vor.u32 $0x2E, v4;
	v12 =	vld.idx.msk [tilespmem:v24+s3+$0x0], $0xffff;
	[tilespmem:s18+$0x15400] =	vst v25  }
0x2a8: {  	[tilespmem:s12+$0x16300] =	vst v34;
	v32 =	vor.u32 $0x2E, v5;
	v33 =	vld.idx.msk [tilespmem:v27+s3+$0x0], $0xffff  }
0x2a9: {  	v35 =	vor.u32 $0x2E, v6;
	v26 =	vld.idx.msk [tilespmem:v20+s3+$0x0], $0xffff;
	[tilespmem:s13+$0x15480] =	vst v17  }
0x2aa: {  	v36 =	vor.u32 $0x3C, v2;
	v8 =	vld.idx.msk [tilespmem:v29+s3+$0x0], $0xffff;
	[tilespmem:s15+$0x15480] =	vst v7  }
0x2ab: {  	v37 =	vor.u32 $0x2F, v1;
	v9 =	vld.idx.msk [tilespmem:v30+s3+$0x0], $0xffff;
	[tilespmem:s16+$0x15480] =	vst v10  }
0x2ac: {  	v38 =	vor.u32 $0x2F, v3;
	v11 =	vld.idx.msk [tilespmem:v31+s3+$0x0], $0xffff;
	[tilespmem:s17+$0x15480] =	vst v12  }
0x2ad: {  	v39 =	vor.u32 $0x2F, v4;
	v13 =	vld.idx.msk [tilespmem:v32+s3+$0x0], $0xffff;
	[tilespmem:s18+$0x15480] =	vst v33  }
0x2ae: {  	v40 =	vor.u32 $0x2F, v5;
	[tilespmem:s14+$0x17380] =	vst v26;
	v41 =	vld.idx.msk [tilespmem:v35+s3+$0x0], $0xffff  }
0x2af: {  	v42 =	vld.idx.msk [tilespmem:v36+s3+$0x0], $0xffff;
	v43 =	vor.u32 $0x2F, v6;
	[tilespmem:s13+$0x15500] =	vst v8  }
0x2b0: {  	v51 =	vor.u32 $0x3D, v2;
	v7 =	vld.idx.msk [tilespmem:v37+s3+$0x0], $0xffff;
	[tilespmem:s15+$0x15500] =	vst v9  }
0x2b1: {  	v45 =	vor.u32 $0x30, v1;
	v10 =	vld.idx.msk [tilespmem:v38+s3+$0x0], $0xffff;
	[tilespmem:s16+$0x15500] =	vst v11  }
0x2b2: {  	v46 =	vor.u32 $0x30, v3;
	v12 =	vld.idx.msk [tilespmem:v39+s3+$0x0], $0xffff;
	[tilespmem:s17+$0x15500] =	vst v13  }
0x2b3: {  	v47 =	vor.u32 $0x30, v4;
	v14 =	vld.idx.msk [tilespmem:v40+s3+$0x0], $0xffff;
	[tilespmem:s18+$0x15500] =	vst v41  }
0x2b4: {  	v48 =	vor.u32 $0x30, v5;
	[tilespmem:s14+$0x17400] =	vst v42;
	v8 =	vld.idx.msk [tilespmem:v43+s3+$0x0], $0xffff  }
0x2b5: {  	v50 =	vor.u32 $0x30, v6;
	v56 =	vld.idx.msk [tilespmem:v51+s3+$0x0], $0xffff;
	[tilespmem:s13+$0x15580] =	vst v7  }
0x2b6: {  	v44 =	vor.u32 $0x33, v0;
	v9 =	vld.idx.msk [tilespmem:v45+s3+$0x0], $0xffff;
	[tilespmem:s15+$0x15580] =	vst v10  }
0x2b7: {  	v52 =	vor.u32 $0x31, v1;
	v11 =	vld.idx.msk [tilespmem:v46+s3+$0x0], $0xffff;
	[tilespmem:s16+$0x15580] =	vst v12  }
0x2b8: {  	v53 =	vor.u32 $0x31, v3;
	v13 =	vld.idx.msk [tilespmem:v47+s3+$0x0], $0xffff;
	[tilespmem:s17+$0x15580] =	vst v14  }
0x2b9: {  	v54 =	vor.u32 $0x31, v4;
	v15 =	vld.idx.msk [tilespmem:v48+s3+$0x0], $0xffff;
	[tilespmem:s18+$0x15580] =	vst v8  }
0x2ba: {  	[tilespmem:s14+$0x17480] =	vst v56;
	v55 =	vor.u32 $0x31, v5;
	v7 =	vld.idx.msk [tilespmem:v50+s3+$0x0], $0xffff  }
0x2bb: {  	v57 =	vor.u32 $0x31, v6;
	v49 =	vld.idx.msk [tilespmem:v44+s3+$0x0], $0xffff;
	[tilespmem:s13+$0x16200] =	vst v9  }
0x2bc: {  	v21 =	vor.u32 $0x3E, v2;
	v10 =	vld.idx.msk [tilespmem:v52+s3+$0x0], $0xffff;
	[tilespmem:s15+$0x16200] =	vst v11  }
0x2bd: {  	v59 =	vor.u32 $0x32, v1;
	v12 =	vld.idx.msk [tilespmem:v53+s3+$0x0], $0xffff;
	[tilespmem:s16+$0x16200] =	vst v13  }
0x2be: {  	v60 =	vor.u32 $0x32, v3;
	v14 =	vld.idx.msk [tilespmem:v54+s3+$0x0], $0xffff;
	[tilespmem:s17+$0x16200] =	vst v15  }
0x2bf: {  	v61 =	vor.u32 $0x32, v4;
	v8 =	vld.idx.msk [tilespmem:v55+s3+$0x0], $0xffff;
	[tilespmem:s18+$0x16200] =	vst v7  }
0x2c0: {  	v62 =	vor.u32 $0x32, v5;
	[tilespmem:s12+$0x16380] =	vst v49;
	v9 =	vld.idx.msk [tilespmem:v57+s3+$0x0], $0xffff  }
0x2c1: {  	v20 =	vor.u32 $0x32, v6;
	v26 =	vld.idx.msk [tilespmem:v21+s3+$0x0], $0xffff;
	[tilespmem:s13+$0x16280] =	vst v10  }
0x2c2: {  	v58 =	vor.u32 $0x34, v0;
	v11 =	vld.idx.msk [tilespmem:v59+s3+$0x0], $0xffff;
	[tilespmem:s15+$0x16280] =	vst v12  }
0x2c3: {  	v22 =	vor.u32 $0x33, v1;
	v13 =	vld.idx.msk [tilespmem:v60+s3+$0x0], $0xffff;
	[tilespmem:s16+$0x16280] =	vst v14  }
0x2c4: {  	v23 =	vor.u32 $0x33, v3;
	v15 =	vld.idx.msk [tilespmem:v61+s3+$0x0], $0xffff;
	[tilespmem:s17+$0x16280] =	vst v8  }
0x2c5: {  	v24 =	vor.u32 $0x33, v4;
	v7 =	vld.idx.msk [tilespmem:v62+s3+$0x0], $0xffff;
	[tilespmem:s18+$0x16280] =	vst v9  }
0x2c6: {  	[tilespmem:s14+$0x17500] =	vst v26;
	v25 =	vor.u32 $0x33, v5;
	v10 =	vld.idx.msk [tilespmem:v20+s3+$0x0], $0xffff  }
0x2c7: {  	v63 =	vld.idx.msk [tilespmem:v58+s3+$0x0], $0xffff;
	v27 =	vor.u32 $0x33, v6;
	[tilespmem:s13+$0x16300] =	vst v11  }
0x2c8: {  	v28 =	vor.u32 $0x35, v0;
	v12 =	vld.idx.msk [tilespmem:v22+s3+$0x0], $0xffff;
	[tilespmem:s15+$0x16300] =	vst v13  }
0x2c9: {  	v29 =	vor.u32 $0x34, v1;
	v14 =	vld.idx.msk [tilespmem:v23+s3+$0x0], $0xffff;
	[tilespmem:s16+$0x16300] =	vst v15  }
0x2ca: {  	v30 =	vor.u32 $0x34, v3;
	v8 =	vld.idx.msk [tilespmem:v24+s3+$0x0], $0xffff;
	[tilespmem:s17+$0x16300] =	vst v7  }
0x2cb: {  	v31 =	vor.u32 $0x34, v4;
	v9 =	vld.idx.msk [tilespmem:v25+s3+$0x0], $0xffff;
	[tilespmem:s18+$0x16300] =	vst v10  }
0x2cc: {  	[tilespmem:s12+$0x16400] =	vst v63;
	v32 =	vor.u32 $0x34, v5;
	v11 =	vld.idx.msk [tilespmem:v27+s3+$0x0], $0xffff  }
0x2cd: {  	v34 =	vor.u32 $0x34, v6;
	v33 =	vld.idx.msk [tilespmem:v28+s3+$0x0], $0xffff;
	[tilespmem:s13+$0x16380] =	vst v12  }
0x2ce: {  	v35 =	vor.u32 $0x3F, v2;
	v13 =	vld.idx.msk [tilespmem:v29+s3+$0x0], $0xffff;
	[tilespmem:s15+$0x16380] =	vst v14  }
0x2cf: {  	v36 =	vor.u32 $0x35, v1;
	v15 =	vld.idx.msk [tilespmem:v30+s3+$0x0], $0xffff;
	[tilespmem:s16+$0x16380] =	vst v8  }
0x2d0: {  	v37 =	vor.u32 $0x35, v3;
	v7 =	vld.idx.msk [tilespmem:v31+s3+$0x0], $0xffff;
	[tilespmem:s17+$0x16380] =	vst v9  }
0x2d1: {  	v38 =	vor.u32 $0x35, v4;
	v10 =	vld.idx.msk [tilespmem:v32+s3+$0x0], $0xffff;
	[tilespmem:s18+$0x16380] =	vst v11  }
0x2d2: {  	v39 =	vor.u32 $0x35, v5;
	[tilespmem:s12+$0x16480] =	vst v33;
	v12 =	vld.idx.msk [tilespmem:v34+s3+$0x0], $0xffff  }
0x2d3: {  	v40 =	vor.u32 $0x35, v6;
	v2 =	vld.idx.msk [tilespmem:v35+s3+$0x0], $0xffff;
	[tilespmem:s13+$0x16400] =	vst v13  }
0x2d4: {  	v41 =	vor.u32 $0x36, v0;
	v14 =	vld.idx.msk [tilespmem:v36+s3+$0x0], $0xffff;
	[tilespmem:s15+$0x16400] =	vst v15  }
0x2d5: {  	v42 =	vor.u32 $0x36, v1;
	v8 =	vld.idx.msk [tilespmem:v37+s3+$0x0], $0xffff;
	[tilespmem:s16+$0x16400] =	vst v7  }
0x2d6: {  	v43 =	vor.u32 $0x36, v3;
	v9 =	vld.idx.msk [tilespmem:v38+s3+$0x0], $0xffff;
	[tilespmem:s17+$0x16400] =	vst v10  }
0x2d7: {  	v44 =	vor.u32 $0x36, v4;
	v11 =	vld.idx.msk [tilespmem:v39+s3+$0x0], $0xffff;
	[tilespmem:s18+$0x16400] =	vst v12  }
0x2d8: {  	v45 =	vor.u32 $0x36, v5;
	[tilespmem:s14+$0x17580] =	vst v2;
	v12 =	vld.idx.msk [tilespmem:v40+s3+$0x0], $0xffff  }
0x2d9: {  	v47 =	vor.u32 $0x36, v6;
	v46 =	vld.idx.msk [tilespmem:v41+s3+$0x0], $0xffff;
	[tilespmem:s13+$0x16480] =	vst v14  }
0x2da: {  	v48 =	vor.u32 $0x37, v0;
	v15 =	vld.idx.msk [tilespmem:v42+s3+$0x0], $0xffff;
	[tilespmem:s15+$0x16480] =	vst v8  }
0x2db: {  	v49 =	vor.u32 $0x37, v1;
	v7 =	vld.idx.msk [tilespmem:v43+s3+$0x0], $0xffff;
	[tilespmem:s16+$0x16480] =	vst v9  }
0x2dc: {  	v50 =	vor.u32 $0x37, v3;
	v10 =	vld.idx.msk [tilespmem:v44+s3+$0x0], $0xffff;
	[tilespmem:s17+$0x16480] =	vst v11  }
0x2dd: {  	v51 =	vor.u32 $0x37, v4;
	v2 =	vld.idx.msk [tilespmem:v45+s3+$0x0], $0xffff;
	[tilespmem:s18+$0x16480] =	vst v12  }
0x2de: {  	v52 =	vor.u32 $0x37, v5;
	[tilespmem:s12+$0x16500] =	vst v46;
	v53 =	vld.idx.msk [tilespmem:v47+s3+$0x0], $0xffff  }
0x2df: {  	v55 =	vor.u32 $0x37, v6;
	v54 =	vld.idx.msk [tilespmem:v48+s3+$0x0], $0xffff;
	[tilespmem:s13+$0x16500] =	vst v15  }
0x2e0: {  	v56 =	vor.u32 $0x38, v0;
	v8 =	vld.idx.msk [tilespmem:v49+s3+$0x0], $0xffff;
	[tilespmem:s15+$0x16500] =	vst v7  }
0x2e1: {  	v57 =	vor.u32 $0x38, v1;
	v9 =	vld.idx.msk [tilespmem:v50+s3+$0x0], $0xffff;
	[tilespmem:s16+$0x16500] =	vst v10  }
0x2e2: {  	v58 =	vor.u32 $0x38, v3;
	v11 =	vld.idx.msk [tilespmem:v51+s3+$0x0], $0xffff;
	[tilespmem:s17+$0x16500] =	vst v2  }
0x2e3: {  	v59 =	vor.u32 $0x38, v4;
	v12 =	vld.idx.msk [tilespmem:v52+s3+$0x0], $0xffff;
	[tilespmem:s18+$0x16500] =	vst v53  }
0x2e4: {  	v60 =	vor.u32 $0x38, v5;
	[tilespmem:s12+$0x16580] =	vst v54;
	v61 =	vld.idx.msk [tilespmem:v55+s3+$0x0], $0xffff  }
0x2e5: {  	v63 =	vor.u32 $0x38, v6;
	v62 =	vld.idx.msk [tilespmem:v56+s3+$0x0], $0xffff;
	[tilespmem:s13+$0x16580] =	vst v8  }
0x2e6: {  	v20 =	vor.u32 $0x39, v0;
	v7 =	vld.idx.msk [tilespmem:v57+s3+$0x0], $0xffff;
	[tilespmem:s15+$0x16580] =	vst v9  }
0x2e7: {  	v21 =	vor.u32 $0x39, v1;
	v10 =	vld.idx.msk [tilespmem:v58+s3+$0x0], $0xffff;
	[tilespmem:s16+$0x16580] =	vst v11  }
0x2e8: {  	v22 =	vor.u32 $0x39, v3;
	v2 =	vld.idx.msk [tilespmem:v59+s3+$0x0], $0xffff;
	[tilespmem:s17+$0x16580] =	vst v12  }
0x2e9: {  	v23 =	vor.u32 $0x39, v4;
	v13 =	vld.idx.msk [tilespmem:v60+s3+$0x0], $0xffff;
	[tilespmem:s18+$0x16580] =	vst v61  }
0x2ea: {  	v24 =	vor.u32 $0x39, v5;
	[tilespmem:s12+$0x17200] =	vst v62;
	v8 =	vld.idx.msk [tilespmem:v63+s3+$0x0], $0xffff  }
0x2eb: {  	v25 =	vor.u32 $0x39, v6;
	v15 =	vld.idx.msk [tilespmem:v20+s3+$0x0], $0xffff;
	[tilespmem:s13+$0x17200] =	vst v7  }
0x2ec: {  	v26 =	vor.u32 $0x3A, v0;
	v9 =	vld.idx.msk [tilespmem:v21+s3+$0x0], $0xffff;
	[tilespmem:s15+$0x17200] =	vst v10  }
0x2ed: {  	v27 =	vor.u32 $0x3A, v1;
	v11 =	vld.idx.msk [tilespmem:v22+s3+$0x0], $0xffff;
	[tilespmem:s16+$0x17200] =	vst v2  }
0x2ee: {  	v28 =	vor.u32 $0x3A, v3;
	v12 =	vld.idx.msk [tilespmem:v23+s3+$0x0], $0xffff;
	[tilespmem:s17+$0x17200] =	vst v13  }
0x2ef: {  	v29 =	vor.u32 $0x3A, v4;
	v14 =	vld.idx.msk [tilespmem:v24+s3+$0x0], $0xffff;
	[tilespmem:s18+$0x17200] =	vst v8  }
0x2f0: {  	v30 =	vor.u32 $0x3A, v5;
	[tilespmem:s12+$0x17280] =	vst v15;
	v7 =	vld.idx.msk [tilespmem:v25+s3+$0x0], $0xffff  }
0x2f1: {  	v31 =	vor.u32 $0x3A, v6;
	v15 =	vld.idx.msk [tilespmem:v26+s3+$0x0], $0xffff;
	[tilespmem:s13+$0x17280] =	vst v9  }
0x2f2: {  	v32 =	vor.u32 $0x3B, v0;
	v10 =	vld.idx.msk [tilespmem:v27+s3+$0x0], $0xffff;
	[tilespmem:s15+$0x17280] =	vst v11  }
0x2f3: {  	v33 =	vor.u32 $0x3B, v1;
	v2 =	vld.idx.msk [tilespmem:v28+s3+$0x0], $0xffff;
	[tilespmem:s16+$0x17280] =	vst v12  }
0x2f4: {  	v34 =	vor.u32 $0x3B, v3;
	v13 =	vld.idx.msk [tilespmem:v29+s3+$0x0], $0xffff;
	[tilespmem:s17+$0x17280] =	vst v14  }
0x2f5: {  	v35 =	vor.u32 $0x3B, v4;
	v8 =	vld.idx.msk [tilespmem:v30+s3+$0x0], $0xffff;
	[tilespmem:s18+$0x17280] =	vst v7  }
0x2f6: {  	v36 =	vor.u32 $0x3B, v5;
	[tilespmem:s12+$0x17300] =	vst v15;
	v9 =	vld.idx.msk [tilespmem:v31+s3+$0x0], $0xffff  }
0x2f7: {  	v37 =	vor.u32 $0x3B, v6;
	v15 =	vld.idx.msk [tilespmem:v32+s3+$0x0], $0xffff;
	[tilespmem:s13+$0x17300] =	vst v10  }
0x2f8: {  	v38 =	vor.u32 $0x3C, v0;
	v11 =	vld.idx.msk [tilespmem:v33+s3+$0x0], $0xffff;
	[tilespmem:s15+$0x17300] =	vst v2  }
0x2f9: {  	v39 =	vor.u32 $0x3C, v1;
	v12 =	vld.idx.msk [tilespmem:v34+s3+$0x0], $0xffff;
	[tilespmem:s16+$0x17300] =	vst v13  }
0x2fa: {  	v40 =	vor.u32 $0x3C, v3;
	v14 =	vld.idx.msk [tilespmem:v35+s3+$0x0], $0xffff;
	[tilespmem:s17+$0x17300] =	vst v8  }
0x2fb: {  	v41 =	vor.u32 $0x3C, v4;
	v7 =	vld.idx.msk [tilespmem:v36+s3+$0x0], $0xffff;
	[tilespmem:s18+$0x17300] =	vst v9  }
0x2fc: {  	v42 =	vor.u32 $0x3C, v5;
	[tilespmem:s12+$0x17380] =	vst v15;
	v10 =	vld.idx.msk [tilespmem:v37+s3+$0x0], $0xffff  }
0x2fd: {  	v43 =	vor.u32 $0x3C, v6;
	v15 =	vld.idx.msk [tilespmem:v38+s3+$0x0], $0xffff;
	[tilespmem:s13+$0x17380] =	vst v11  }
0x2fe: {  	v44 =	vor.u32 $0x3D, v0;
	v2 =	vld.idx.msk [tilespmem:v39+s3+$0x0], $0xffff;
	[tilespmem:s15+$0x17380] =	vst v12  }
0x2ff: {  	v45 =	vor.u32 $0x3D, v1;
	v13 =	vld.idx.msk [tilespmem:v40+s3+$0x0], $0xffff;
	[tilespmem:s16+$0x17380] =	vst v14  }
0x300: {  	v46 =	vor.u32 $0x3D, v3;
	v8 =	vld.idx.msk [tilespmem:v41+s3+$0x0], $0xffff;
	[tilespmem:s17+$0x17380] =	vst v7  }
0x301: {  	v47 =	vor.u32 $0x3D, v4;
	v9 =	vld.idx.msk [tilespmem:v42+s3+$0x0], $0xffff;
	[tilespmem:s18+$0x17380] =	vst v10  }
0x302: {  	v48 =	vor.u32 $0x3D, v5;
	[tilespmem:s12+$0x17400] =	vst v15;
	v11 =	vld.idx.msk [tilespmem:v43+s3+$0x0], $0xffff  }
0x303: {  	v49 =	vor.u32 $0x3D, v6;
	v15 =	vld.idx.msk [tilespmem:v44+s3+$0x0], $0xffff;
	[tilespmem:s13+$0x17400] =	vst v2  }
0x304: {  	v50 =	vor.u32 $0x3E, v0;
	v12 =	vld.idx.msk [tilespmem:v45+s3+$0x0], $0xffff;
	[tilespmem:s15+$0x17400] =	vst v13  }
0x305: {  	v51 =	vor.u32 $0x3E, v1;
	v14 =	vld.idx.msk [tilespmem:v46+s3+$0x0], $0xffff;
	[tilespmem:s16+$0x17400] =	vst v8  }
0x306: {  	v52 =	vor.u32 $0x3E, v3;
	v7 =	vld.idx.msk [tilespmem:v47+s3+$0x0], $0xffff;
	[tilespmem:s17+$0x17400] =	vst v9  }
0x307: {  	v53 =	vor.u32 $0x3E, v4;
	v10 =	vld.idx.msk [tilespmem:v48+s3+$0x0], $0xffff;
	[tilespmem:s18+$0x17400] =	vst v11  }
0x308: {  	v54 =	vor.u32 $0x3E, v5;
	[tilespmem:s12+$0x17480] =	vst v15;
	v2 =	vld.idx.msk [tilespmem:v49+s3+$0x0], $0xffff  }
0x309: {  	v55 =	vor.u32 $0x3E, v6;
	v15 =	vld.idx.msk [tilespmem:v50+s3+$0x0], $0xffff;
	[tilespmem:s13+$0x17480] =	vst v12  }
0x30a: {  	v56 =	vor.u32 $0x3F, v0;
	v13 =	vld.idx.msk [tilespmem:v51+s3+$0x0], $0xffff;
	[tilespmem:s15+$0x17480] =	vst v14  }
0x30b: {  	v57 =	vor.u32 $0x3F, v1;
	v8 =	vld.idx.msk [tilespmem:v52+s3+$0x0], $0xffff;
	[tilespmem:s16+$0x17480] =	vst v7  }
0x30c: {  	v58 =	vor.u32 $0x3F, v3;
	v7 =	vld.idx.msk [tilespmem:v53+s3+$0x0], $0xffff;
	[tilespmem:s17+$0x17480] =	vst v10  }
0x30d: {  	v59 =	vor.u32 $0x3F, v4;
	v60 =	vld.idx.msk [tilespmem:v54+s3+$0x0], $0xffff;
	[tilespmem:s18+$0x17480] =	vst v2  }
0x30e: {  	v61 =	vor.u32 $0x3F, v5;
	[tilespmem:s12+$0x17500] =	vst v15;
	v62 =	vld.idx.msk [tilespmem:v55+s3+$0x0], $0xffff  }
0x30f: {  	v6 =	vor.u32 $0x3F, v6;
	v0 =	vld.idx.msk [tilespmem:v56+s3+$0x0], $0xffff;
	[tilespmem:s13+$0x17500] =	vst v13  }
0x310: {  	v1 =	vld.idx.msk [tilespmem:v57+s3+$0x0], $0xffff;
	[tilespmem:s15+$0x17500] =	vst v8  }
0x311: {  	v3 =	vld.idx.msk [tilespmem:v58+s3+$0x0], $0xffff;
	[tilespmem:s16+$0x17500] =	vst v7  }
0x312: {  	v4 =	vld.idx.msk [tilespmem:v59+s3+$0x0], $0xffff;
	[tilespmem:s17+$0x17500] =	vst v60  }
0x313: {  	v2 =	vld.idx.msk [tilespmem:v61+s3+$0x0], $0xffff;
	[tilespmem:s18+$0x17500] =	vst v62  }
0x314: {  	[tilespmem:s12+$0x17580] =	vst v0;
	v63 =	vld.idx.msk [tilespmem:v6+s3+$0x0], $0xffff  }
0x315: {  	[tilespmem:s13+$0x17580] =	vst v1  }
0x316: {  	[tilespmem:s15+$0x17580] =	vst v3  }
0x317: {  	s11 =	sadd.s32 $0x1, s11;
	[tilespmem:s16+$0x17580] =	vst v4  }
0x318: {  	p0 =	sne.s32 s11, s7;
	[tilespmem:s17+$0x17580] =	vst v2  }
.Ltmp1:
0x319: {  	[tilespmem:s18+$0x17580] =	vst v63;
	(pc) =	sbr.rel @p0 .LBB2_1-.Ltmp1, $4  }
0x31a: {  	[hbm4b:s6+s8] =	stream.strided.scatter [tilespmem:s10], [sflag:$0x1], $0x8000, s9, s8, $0x38;
	[tilespmem:$0x18200] =	vst v63  }
0x31b: {  	_ =	swait.ge [sflag:s5], $0x8000  }
0x31c: {  	[sflag:s5] =	ssyncset.done $0x0  }
0x31d: {  	[sflag:s5] =	ssyncadd.s32 $0xFFFF8000  }
0x31e: {  	_ =	sfence.sel $0x180000  }
0x31f: {  	[bflag:$0x0] =	sbarrier.arrive $0xFFFF  }
0x320: {  	p0 =	sne.s32 s0, $0x0;
	_ =	strace $0x90000047  }
0x321: {  	s0 =	sadd.s32 @!p0 $0x100000, s1;
	[bflag:$0x2] =	sbarrier.arrive $0xFFFF  }
0x322: {  	[sflag:s0] =	ssyncadd.tile.s32 @!p0 $0x1;
	_ =	shalt  }
.Lfunc_end2:
_tile_overlayer_lowered:
.L_overlay_start_2:
0x323: {  	(tag) =	ssettag $0x2  }
0x324: {  	s0 =	rddreg [dreg:$0x0];
	s2 =	stileid.u32  }
0x325: {  	s1 =	rddreg [dreg:$0x1];
	p0 =	sne.s32 s2, $0x0  }
0x326: {  	s3 =	rddreg [dreg:$0x2];
	[bflag:$0x3] =	sbarrier.arrive $0xFFFF;
	s2 =	simm.s32 @!p0 $0x1C01  }
0x327: {  	[timem:s3], [sflag:s2] =	dma.local @!p0 [hbm:s0], s1  }
0x328: {  	s0 =	simm.s32 @!p0 $0x1  }
0x329: {  	_ =	swait.ge @!p0 [sflag:s0], s1  }
0x32a: {  	s1 =	ssub.s32 @!p0 $0x0, s1;
	[sflag:s0] =	ssyncset.done @!p0 $0x0  }
0x32b: {  	[sflag:s0] =	ssyncadd.s32 @!p0 s1  }
0x32c: {  	[bflag:$0x3] =	sbarrier.arrive $0xFFFF  }
0x32d: {  	_ =	shalt  }

</sc_bundles>
